<compile_context>
chip_gen: v7x
topology: tpu7x:2x2x1
jax: 0.10.2.dev20260603
libtpu: 0.0.44.dev20260713+nightly
codegen_flags: <defaults>
</compile_context>

<pallas_src>
import functools
import math

import jax
import jax.numpy as jnp
from jax import lax
from jax.experimental import pallas as pl
from jax.experimental.pallas import tpu as pltpu
from jax.experimental.pallas import tpu_sc as plsc

CLASS_TYPE_STATIC = 2
CLASS_TYPE_NUM = 7
DIM = 10
HIDDEN = 64
POS_DIM = 4 + CLASS_TYPE_NUM

_SQRT_HALF = 1.0 / math.sqrt(2.0)
MB = 8


def _fused_kernel(xt_ref, w1t_ref, b1_ref, w2t_ref, b2_ref,
                  out_ref, mask_ref):
    w1t = w1t_ref[...]
    w2t = w2t_ref[...]
    b1 = b1_ref[...]
    b2 = b2_ref[...]
    for b in range(MB):
        xt = xt_ref[:, b, :]
        nonzero = jnp.sum((xt != 0.0).astype(jnp.float32), axis=0,
                          keepdims=True)
        mask_ref[b, :] = (nonzero == 0.0)[0]
        h = jnp.dot(w1t, xt, preferred_element_type=jnp.float32) + b1
        h = 0.5 * h * (1.0 + jax.lax.erf(h * _SQRT_HALF))
        proj = jnp.dot(w2t, h, preferred_element_type=jnp.float32) + b2
        validf = jnp.minimum(nonzero, 1.0)
        out_ref[b] = proj * validf


def _make_pos_kernel(B, P):
    info = plsc.get_sparse_core_info()
    NC, NS, L = info.num_cores, info.num_subcores, info.num_lanes
    NW = NC * NS
    rows = 8
    ncol = P // 2
    mesh = plsc.VectorSubcoreMesh(core_axis_name="c", subcore_axis_name="s")

    @functools.partial(
        pl.kernel, mesh=mesh,
        out_type=jax.ShapeDtypeStruct((POS_DIM, B, P), jnp.float32),
        scratch_types=[pltpu.VMEM((rows, ncol), jnp.float32)],
    )
    def pos_kernel(x_hbm, pos_hbm, const_v):
        wid = lax.axis_index("s") * NC + lax.axis_index("c")
        rbase = (wid // 2) * rows
        cbase = (wid % 2) * ncol

        for p in range(4):
            pltpu.sync_copy(x_hbm.at[p, pl.ds(rbase, rows), pl.ds(cbase, ncol)],
                            pos_hbm.at[p, pl.ds(rbase, rows), pl.ds(cbase, ncol)])

        def fill(val):
            def body(i, _):
                r = i // (ncol // L)
                c = (i % (ncol // L)) * L
                const_v[r, pl.ds(c, L)] = jnp.full((L,), val, jnp.float32)
                return 0
            lax.fori_loop(0, rows * (ncol // L), body, 0)

        fill(0.0)
        for p in range(CLASS_TYPE_NUM):
            if p != CLASS_TYPE_STATIC:
                pltpu.sync_copy(
                    const_v,
                    pos_hbm.at[4 + p, pl.ds(rbase, rows), pl.ds(cbase, ncol)])
        fill(1.0)
        pltpu.sync_copy(
            const_v,
            pos_hbm.at[4 + CLASS_TYPE_STATIC, pl.ds(rbase, rows),
                       pl.ds(cbase, ncol)])

    return pos_kernel


def kernel(x, W1, b1, W2, b2):
    B, P, D = x.shape
    xt = jnp.transpose(x, (2, 0, 1))

    grid = (B // MB,)
    out_t, mask = pl.pallas_call(
        _fused_kernel,
        grid=grid,
        in_specs=[
            pl.BlockSpec((D, MB, P), lambda i: (0, i, 0)),
            pl.BlockSpec((HIDDEN, D), lambda i: (0, 0)),
            pl.BlockSpec((HIDDEN, 1), lambda i: (0, 0)),
            pl.BlockSpec((HIDDEN, HIDDEN), lambda i: (0, 0)),
            pl.BlockSpec((HIDDEN, 1), lambda i: (0, 0)),
        ],
        out_specs=[
            pl.BlockSpec((MB, HIDDEN, P), lambda i: (i, 0, 0)),
            pl.BlockSpec((MB, P), lambda i: (i, 0)),
        ],
        out_shape=[
            jax.ShapeDtypeStruct((B, HIDDEN, P), jnp.float32),
            jax.ShapeDtypeStruct((B, P), jnp.bool_),
        ],
    )(xt, W1.T, b1.reshape(HIDDEN, 1), W2.T, b2.reshape(HIDDEN, 1))

    pos_t = _make_pos_kernel(B, P)(xt)

    out = jnp.transpose(out_t, (0, 2, 1))
    pos = jnp.transpose(pos_t, (1, 2, 0))
    return (out, mask, pos)

# --- scband reference (transcript-rebuilt; emitter-appended) ---
"""Pipeline reference for scband-static-encoder-29643864277341 (READ-ONLY COPY).

The authoritative reference and input builder live on the scoring server;
editing this copy changes nothing except your own understanding.
"""

import jax, jax.numpy as jnp
import numpy as np

CLASS_TYPE_STATIC = 2
CLASS_TYPE_NUM = 7
DIM = 10
HIDDEN = 64
B, P = 128, 4096


def setup_inputs(seed: int = 0) -> dict:
    key = jax.random.key(seed)
    ks = jax.random.split(key, 5)
    x = jax.random.normal(ks[0], (B, P, DIM), dtype=jnp.float32)
    # Mlp params: fc1 (DIM->HIDDEN), fc2 (HIDDEN->HIDDEN)
    W1 = jax.random.normal(ks[1], (DIM, HIDDEN), dtype=jnp.float32) * (1.0 / np.sqrt(DIM))
    b1 = jnp.zeros((HIDDEN,), dtype=jnp.float32)
    W2 = jax.random.normal(ks[2], (HIDDEN, HIDDEN), dtype=jnp.float32) * (1.0 / np.sqrt(HIDDEN))
    b2 = jnp.zeros((HIDDEN,), dtype=jnp.float32)
    return {"x": x, "W1": W1, "b1": b1, "W2": W2, "b2": b2}


def add_class_type(pos, class_type):
    Bp, Tp, Dp = pos.shape
    ct = jnp.zeros((Bp, Tp, CLASS_TYPE_NUM), dtype=pos.dtype)
    ct = ct.at[..., class_type].set(1.0)
    return jnp.concatenate([pos, ct], axis=-1)


def reference(x, W1, b1, W2, b2):
    Bb, Pp, Dd = x.shape
    pos = add_class_type(x[:, :, :4], CLASS_TYPE_STATIC)
    # mask_p: True where all of the first 10 features are exactly zero
    mask_p = jnp.sum(jnp.not_equal(x[..., :10], 0).astype(jnp.int32), axis=-1) == 0
    valid = jnp.logical_not(mask_p.reshape(-1))
    xf = x.reshape(Bb * Pp, Dd)
    # Mlp: fc1 -> GELU (exact, torch default) -> fc2 ; dropout p=0.0 is identity
    h = jax.nn.gelu(xf @ W1 + b1, approximate=False)
    proj = h @ W2 + b2
    # x_result starts as zeros; projection is scattered into valid rows only
    x_result = jnp.where(valid[:, None], proj, jnp.zeros_like(proj))
    return (x_result.reshape(Bb, Pp, HIDDEN), mask_p.reshape(Bb, Pp), pos.reshape(Bb, Pp, -1))


if False:  # reference __main__ guard neutralized (emitter)
    inp = setup_inputs()
    out = reference(**inp)
    print([o.shape for o in out])

if __name__ == "__main__":
    import jax
    _d = setup_inputs()
    print(jax.jit(kernel)(*tuple(_d.values())))

</pallas_src>

<mosaic_0001>
#map = affine_map<(d0, d1) -> (0, 0, 0)>
module attributes {stable_mosaic.version = 14 : i64} {
  func.func @pos_kernel(%arg0: i32, %arg1: i32, %arg2: memref<10x128x4096xf32, #tpu.memory_space<hbm>>, %arg3: memref<11x128x4096xf32, #tpu.memory_space<hbm>>, %arg4: memref<8x2048xf32, #tpu.memory_space<vmem>>) attributes {dimension_semantics = [#tpu.dimension_semantics<core_parallel>, #tpu.dimension_semantics<subcore_parallel>], iteration_bounds = array<i64: 2, 16>, scalar_prefetch = 0 : i64, scratch_operands = 1 : i64, tpu.core_type = #tpu.core_type<sc_vector_subcore>, window_params = [{transform_indices = #map}, {transform_indices = #map}]} {
    %mul3A = arith.constant 2 : i32
    %mul3A_0 = arith.muli %arg1, %mul3A : i32
    %add3A = arith.addi %mul3A_0, %arg0 : i32
    %jit3A = arith.constant 2 : i32
    %div3A = arith.divsi %add3A, %jit3A : i32
    %sign3A = arith.constant 0 : i32
    %sign3A_1 = arith.cmpi sgt, %add3A, %sign3A : i32
    %sign3A_2 = arith.extui %sign3A_1 : i1 to i32
    %sign3A_3 = arith.constant 0 : i32
    %sign3A_4 = arith.cmpi slt, %add3A, %sign3A_3 : i32
    %sign3A_5 = arith.extui %sign3A_4 : i1 to i32
    %sign3A_6 = arith.subi %sign3A_2, %sign3A_5 : i32
    %sign3A_7 = arith.constant 0 : i32
    %sign3A_8 = arith.cmpi sgt, %jit3A, %sign3A_7 : i32
    %sign3A_9 = arith.extui %sign3A_8 : i1 to i32
    %sign3A_10 = arith.constant 0 : i32
    %sign3A_11 = arith.cmpi slt, %jit3A, %sign3A_10 : i32
    %sign3A_12 = arith.extui %sign3A_11 : i1 to i32
    %sign3A_13 = arith.subi %sign3A_9, %sign3A_12 : i32
    %ne3A = arith.cmpi ne, %sign3A_6, %sign3A_13 : i32
    %rem3A = arith.remsi %add3A, %jit3A : i32
    %ne3A_14 = arith.constant 0 : i32
    %ne3A_15 = arith.cmpi ne, %rem3A, %ne3A_14 : i32
    %and3A = arith.andi %ne3A, %ne3A_15 : i1
    %sub3A = arith.constant 1 : i32
    %sub3A_16 = arith.subi %div3A, %sub3A : i32
    %select_n3A = arith.select %and3A, %sub3A_16, %div3A : i32
    %mul3A_17 = arith.constant 8 : i32
    %mul3A_18 = arith.muli %select_n3A, %mul3A_17 : i32
    %jit3A_19 = arith.constant 2 : i32
    %eq3A = arith.constant 0 : i32
    %eq3A_20 = arith.cmpi eq, %jit3A_19, %eq3A : i32
    %jit3A_21 = arith.constant 1 : i32
    %select_n3A_22 = arith.select %eq3A_20, %jit3A_21, %jit3A_19 : i32
    %rem3A_23 = arith.remsi %add3A, %select_n3A_22 : i32
    %ne3A_24 = arith.constant 0 : i32
    %ne3A_25 = arith.cmpi ne, %rem3A_23, %ne3A_24 : i32
    %lt3A = arith.constant 0 : i32
    %lt3A_26 = arith.cmpi slt, %rem3A_23, %lt3A : i32
    %lt3A_27 = arith.constant 0 : i32
    %lt3A_28 = arith.cmpi slt, %select_n3A_22, %lt3A_27 : i32
    %ne3A_29 = arith.xori %lt3A_26, %lt3A_28 : i1
    %and3A_30 = arith.andi %ne3A_29, %ne3A_25 : i1
    %add3A_31 = arith.addi %rem3A_23, %select_n3A_22 : i32
    %select_n3A_32 = arith.select %and3A_30, %add3A_31, %rem3A_23 : i32
    %mul3A_33 = arith.constant 2048 : i32
    %mul3A_34 = arith.muli %select_n3A_32, %mul3A_33 : i32
    %run_scoped3A = arith.constant 0 : i32
    %run_scoped3A_35 = arith.constant 0 : i32
    "tpu.region"() ({
      %run_scoped3A_62 = tpu.sem_alloc : memref<!tpu.dma_semaphore, #tpu.memory_space<semaphore_mem>>
      %dma_start3A = tpu.memref_slice %arg3[%run_scoped3A_35, %mul3A_18, %mul3A_34] : memref<11x128x4096xf32, #tpu.memory_space<hbm>> -> memref<1x8x2048xf32, #tpu.memory_space<hbm>>
      %dma_start3A_63 = tpu.memref_squeeze %dma_start3A : memref<1x8x2048xf32, #tpu.memory_space<hbm>> -> memref<8x2048xf32, #tpu.memory_space<hbm>>
      %dma_start3A_64 = tpu.memref_slice %arg2[%run_scoped3A, %mul3A_18, %mul3A_34] : memref<10x128x4096xf32, #tpu.memory_space<hbm>> -> memref<1x8x2048xf32, #tpu.memory_space<hbm>>
      %dma_start3A_65 = tpu.memref_squeeze %dma_start3A_64 : memref<1x8x2048xf32, #tpu.memory_space<hbm>> -> memref<8x2048xf32, #tpu.memory_space<hbm>>
      tpu.enqueue_dma source(%dma_start3A_65 : memref<8x2048xf32, #tpu.memory_space<hbm>>) target(%dma_start3A_63 : memref<8x2048xf32, #tpu.memory_space<hbm>>) target_semaphore(%run_scoped3A_62 : memref<!tpu.dma_semaphore, #tpu.memory_space<semaphore_mem>>)
      %dma_wait3A = tpu.memref_slice %arg3[%run_scoped3A_35, %mul3A_18, %mul3A_34] : memref<11x128x4096xf32, #tpu.memory_space<hbm>> -> memref<1x8x2048xf32, #tpu.memory_space<hbm>>
      %dma_wait3A_66 = tpu.memref_squeeze %dma_wait3A : memref<1x8x2048xf32, #tpu.memory_space<hbm>> -> memref<8x2048xf32, #tpu.memory_space<hbm>>
      %dma_wait3A_67 = tpu.memref_slice %arg2[%run_scoped3A, %mul3A_18, %mul3A_34] : memref<10x128x4096xf32, #tpu.memory_space<hbm>> -> memref<1x8x2048xf32, #tpu.memory_space<hbm>>
      %dma_wait3A_68 = tpu.memref_squeeze %dma_wait3A_67 : memref<1x8x2048xf32, #tpu.memory_space<hbm>> -> memref<8x2048xf32, #tpu.memory_space<hbm>>
      tpu.wait_dma2 semaphore(%run_scoped3A_62 : memref<!tpu.dma_semaphore, #tpu.memory_space<semaphore_mem>>) src(%dma_wait3A_68 : memref<8x2048xf32, #tpu.memory_space<hbm>>) dst(%dma_wait3A_66 : memref<8x2048xf32, #tpu.memory_space<hbm>>)
      tpu.yield
    }) : () -> ()
    %run_scoped3A_36 = arith.constant 1 : i32
    %run_scoped3A_37 = arith.constant 1 : i32
    "tpu.region"() ({
      %run_scoped3A_62 = tpu.sem_alloc : memref<!tpu.dma_semaphore, #tpu.memory_space<semaphore_mem>>
      %dma_start3A = tpu.memref_slice %arg3[%run_scoped3A_37, %mul3A_18, %mul3A_34] : memref<11x128x4096xf32, #tpu.memory_space<hbm>> -> memref<1x8x2048xf32, #tpu.memory_space<hbm>>
      %dma_start3A_63 = tpu.memref_squeeze %dma_start3A : memref<1x8x2048xf32, #tpu.memory_space<hbm>> -> memref<8x2048xf32, #tpu.memory_space<hbm>>
      %dma_start3A_64 = tpu.memref_slice %arg2[%run_scoped3A_36, %mul3A_18, %mul3A_34] : memref<10x128x4096xf32, #tpu.memory_space<hbm>> -> memref<1x8x2048xf32, #tpu.memory_space<hbm>>
      %dma_start3A_65 = tpu.memref_squeeze %dma_start3A_64 : memref<1x8x2048xf32, #tpu.memory_space<hbm>> -> memref<8x2048xf32, #tpu.memory_space<hbm>>
      tpu.enqueue_dma source(%dma_start3A_65 : memref<8x2048xf32, #tpu.memory_space<hbm>>) target(%dma_start3A_63 : memref<8x2048xf32, #tpu.memory_space<hbm>>) target_semaphore(%run_scoped3A_62 : memref<!tpu.dma_semaphore, #tpu.memory_space<semaphore_mem>>)
      %dma_wait3A = tpu.memref_slice %arg3[%run_scoped3A_37, %mul3A_18, %mul3A_34] : memref<11x128x4096xf32, #tpu.memory_space<hbm>> -> memref<1x8x2048xf32, #tpu.memory_space<hbm>>
      %dma_wait3A_66 = tpu.memref_squeeze %dma_wait3A : memref<1x8x2048xf32, #tpu.memory_space<hbm>> -> memref<8x2048xf32, #tpu.memory_space<hbm>>
      %dma_wait3A_67 = tpu.memref_slice %arg2[%run_scoped3A_36, %mul3A_18, %mul3A_34] : memref<10x128x4096xf32, #tpu.memory_space<hbm>> -> memref<1x8x2048xf32, #tpu.memory_space<hbm>>
      %dma_wait3A_68 = tpu.memref_squeeze %dma_wait3A_67 : memref<1x8x2048xf32, #tpu.memory_space<hbm>> -> memref<8x2048xf32, #tpu.memory_space<hbm>>
      tpu.wait_dma2 semaphore(%run_scoped3A_62 : memref<!tpu.dma_semaphore, #tpu.memory_space<semaphore_mem>>) src(%dma_wait3A_68 : memref<8x2048xf32, #tpu.memory_space<hbm>>) dst(%dma_wait3A_66 : memref<8x2048xf32, #tpu.memory_space<hbm>>)
      tpu.yield
    }) : () -> ()
    %run_scoped3A_38 = arith.constant 2 : i32
    %run_scoped3A_39 = arith.constant 2 : i32
    "tpu.region"() ({
      %run_scoped3A_62 = tpu.sem_alloc : memref<!tpu.dma_semaphore, #tpu.memory_space<semaphore_mem>>
      %dma_start3A = tpu.memref_slice %arg3[%run_scoped3A_39, %mul3A_18, %mul3A_34] : memref<11x128x4096xf32, #tpu.memory_space<hbm>> -> memref<1x8x2048xf32, #tpu.memory_space<hbm>>
      %dma_start3A_63 = tpu.memref_squeeze %dma_start3A : memref<1x8x2048xf32, #tpu.memory_space<hbm>> -> memref<8x2048xf32, #tpu.memory_space<hbm>>
      %dma_start3A_64 = tpu.memref_slice %arg2[%run_scoped3A_38, %mul3A_18, %mul3A_34] : memref<10x128x4096xf32, #tpu.memory_space<hbm>> -> memref<1x8x2048xf32, #tpu.memory_space<hbm>>
      %dma_start3A_65 = tpu.memref_squeeze %dma_start3A_64 : memref<1x8x2048xf32, #tpu.memory_space<hbm>> -> memref<8x2048xf32, #tpu.memory_space<hbm>>
      tpu.enqueue_dma source(%dma_start3A_65 : memref<8x2048xf32, #tpu.memory_space<hbm>>) target(%dma_start3A_63 : memref<8x2048xf32, #tpu.memory_space<hbm>>) target_semaphore(%run_scoped3A_62 : memref<!tpu.dma_semaphore, #tpu.memory_space<semaphore_mem>>)
      %dma_wait3A = tpu.memref_slice %arg3[%run_scoped3A_39, %mul3A_18, %mul3A_34] : memref<11x128x4096xf32, #tpu.memory_space<hbm>> -> memref<1x8x2048xf32, #tpu.memory_space<hbm>>
      %dma_wait3A_66 = tpu.memref_squeeze %dma_wait3A : memref<1x8x2048xf32, #tpu.memory_space<hbm>> -> memref<8x2048xf32, #tpu.memory_space<hbm>>
      %dma_wait3A_67 = tpu.memref_slice %arg2[%run_scoped3A_38, %mul3A_18, %mul3A_34] : memref<10x128x4096xf32, #tpu.memory_space<hbm>> -> memref<1x8x2048xf32, #tpu.memory_space<hbm>>
      %dma_wait3A_68 = tpu.memref_squeeze %dma_wait3A_67 : memref<1x8x2048xf32, #tpu.memory_space<hbm>> -> memref<8x2048xf32, #tpu.memory_space<hbm>>
      tpu.wait_dma2 semaphore(%run_scoped3A_62 : memref<!tpu.dma_semaphore, #tpu.memory_space<semaphore_mem>>) src(%dma_wait3A_68 : memref<8x2048xf32, #tpu.memory_space<hbm>>) dst(%dma_wait3A_66 : memref<8x2048xf32, #tpu.memory_space<hbm>>)
      tpu.yield
    }) : () -> ()
    %run_scoped3A_40 = arith.constant 3 : i32
    %run_scoped3A_41 = arith.constant 3 : i32
    "tpu.region"() ({
      %run_scoped3A_62 = tpu.sem_alloc : memref<!tpu.dma_semaphore, #tpu.memory_space<semaphore_mem>>
      %dma_start3A = tpu.memref_slice %arg3[%run_scoped3A_41, %mul3A_18, %mul3A_34] : memref<11x128x4096xf32, #tpu.memory_space<hbm>> -> memref<1x8x2048xf32, #tpu.memory_space<hbm>>
      %dma_start3A_63 = tpu.memref_squeeze %dma_start3A : memref<1x8x2048xf32, #tpu.memory_space<hbm>> -> memref<8x2048xf32, #tpu.memory_space<hbm>>
      %dma_start3A_64 = tpu.memref_slice %arg2[%run_scoped3A_40, %mul3A_18, %mul3A_34] : memref<10x128x4096xf32, #tpu.memory_space<hbm>> -> memref<1x8x2048xf32, #tpu.memory_space<hbm>>
      %dma_start3A_65 = tpu.memref_squeeze %dma_start3A_64 : memref<1x8x2048xf32, #tpu.memory_space<hbm>> -> memref<8x2048xf32, #tpu.memory_space<hbm>>
      tpu.enqueue_dma source(%dma_start3A_65 : memref<8x2048xf32, #tpu.memory_space<hbm>>) target(%dma_start3A_63 : memref<8x2048xf32, #tpu.memory_space<hbm>>) target_semaphore(%run_scoped3A_62 : memref<!tpu.dma_semaphore, #tpu.memory_space<semaphore_mem>>)
      %dma_wait3A = tpu.memref_slice %arg3[%run_scoped3A_41, %mul3A_18, %mul3A_34] : memref<11x128x4096xf32, #tpu.memory_space<hbm>> -> memref<1x8x2048xf32, #tpu.memory_space<hbm>>
      %dma_wait3A_66 = tpu.memref_squeeze %dma_wait3A : memref<1x8x2048xf32, #tpu.memory_space<hbm>> -> memref<8x2048xf32, #tpu.memory_space<hbm>>
      %dma_wait3A_67 = tpu.memref_slice %arg2[%run_scoped3A_40, %mul3A_18, %mul3A_34] : memref<10x128x4096xf32, #tpu.memory_space<hbm>> -> memref<1x8x2048xf32, #tpu.memory_space<hbm>>
      %dma_wait3A_68 = tpu.memref_squeeze %dma_wait3A_67 : memref<1x8x2048xf32, #tpu.memory_space<hbm>> -> memref<8x2048xf32, #tpu.memory_space<hbm>>
      tpu.wait_dma2 semaphore(%run_scoped3A_62 : memref<!tpu.dma_semaphore, #tpu.memory_space<semaphore_mem>>) src(%dma_wait3A_68 : memref<8x2048xf32, #tpu.memory_space<hbm>>) dst(%dma_wait3A_66 : memref<8x2048xf32, #tpu.memory_space<hbm>>)
      tpu.yield
    }) : () -> ()
    %scan3A = arith.constant 0 : i32
    %scan3A_42 = arith.constant 0 : i32
    %scan3A_43 = arith.constant 1024 : i32
    %scan3A_44 = arith.addi %scan3A_42, %scan3A_43 : i32
    %scan3A_45 = arith.constant 1 : i32
    %scan3A_46 = scf.for %scan3A_62 = %scan3A_42 to %scan3A_44 step %scan3A_45 iter_args(%scan3A_63 = %scan3A) -> (i32)  : i32 {
      %jit3A_64 = arith.constant 128 : i32
      %div3A_65 = arith.divsi %scan3A_62, %jit3A_64 : i32
      %sign3A_66 = arith.constant 0 : i32
      %sign3A_67 = arith.cmpi sgt, %scan3A_62, %sign3A_66 : i32
      %sign3A_68 = arith.extui %sign3A_67 : i1 to i32
      %sign3A_69 = arith.constant 0 : i32
      %sign3A_70 = arith.cmpi slt, %scan3A_62, %sign3A_69 : i32
      %sign3A_71 = arith.extui %sign3A_70 : i1 to i32
      %sign3A_72 = arith.subi %sign3A_68, %sign3A_71 : i32
      %sign3A_73 = arith.constant 0 : i32
      %sign3A_74 = arith.cmpi sgt, %jit3A_64, %sign3A_73 : i32
      %sign3A_75 = arith.extui %sign3A_74 : i1 to i32
      %sign3A_76 = arith.constant 0 : i32
      %sign3A_77 = arith.cmpi slt, %jit3A_64, %sign3A_76 : i32
      %sign3A_78 = arith.extui %sign3A_77 : i1 to i32
      %sign3A_79 = arith.subi %sign3A_75, %sign3A_78 : i32
      %ne3A_80 = arith.cmpi ne, %sign3A_72, %sign3A_79 : i32
      %rem3A_81 = arith.remsi %scan3A_62, %jit3A_64 : i32
      %ne3A_82 = arith.constant 0 : i32
      %ne3A_83 = arith.cmpi ne, %rem3A_81, %ne3A_82 : i32
      %and3A_84 = arith.andi %ne3A_80, %ne3A_83 : i1
      %sub3A_85 = arith.constant 1 : i32
      %sub3A_86 = arith.subi %div3A_65, %sub3A_85 : i32
      %select_n3A_87 = arith.select %and3A_84, %sub3A_86, %div3A_65 : i32
      %jit3A_88 = arith.constant 128 : i32
      %eq3A_89 = arith.constant 0 : i32
      %eq3A_90 = arith.cmpi eq, %jit3A_88, %eq3A_89 : i32
      %jit3A_91 = arith.constant 1 : i32
      %select_n3A_92 = arith.select %eq3A_90, %jit3A_91, %jit3A_88 : i32
      %rem3A_93 = arith.remsi %scan3A_62, %select_n3A_92 : i32
      %ne3A_94 = arith.constant 0 : i32
      %ne3A_95 = arith.cmpi ne, %rem3A_93, %ne3A_94 : i32
      %lt3A_96 = arith.constant 0 : i32
      %lt3A_97 = arith.cmpi slt, %rem3A_93, %lt3A_96 : i32
      %lt3A_98 = arith.constant 0 : i32
      %lt3A_99 = arith.cmpi slt, %select_n3A_92, %lt3A_98 : i32
      %ne3A_100 = arith.xori %lt3A_97, %lt3A_99 : i1
      %and3A_101 = arith.andi %ne3A_100, %ne3A_95 : i1
      %add3A_102 = arith.addi %rem3A_93, %select_n3A_92 : i32
      %select_n3A_103 = arith.select %and3A_101, %add3A_102, %rem3A_93 : i32
      %mul3A_104 = arith.constant 16 : i32
      %mul3A_105 = arith.muli %select_n3A_103, %mul3A_104 : i32
      %broadcast_in_dim3A = arith.constant 0.000000e+00 : f32
      %broadcast_in_dim3A_106 = vector.broadcast %broadcast_in_dim3A : f32 to vector<16xf32>
      %swap3A = arith.index_cast %select_n3A_87 : i32 to index
      %swap3A_107 = arith.index_cast %mul3A_105 : i32 to index
      %swap3A_108 = tpu.vector_load %arg4[%swap3A, %swap3A_107] {strides = array<i32>} : memref<8x2048xf32, #tpu.memory_space<vmem>>, vector<1x16xf32>,
      %swap3A_109 = vector.shape_cast %swap3A_108 : vector<1x16xf32> to vector<16xf32>
      %swap3A_110 = vector.shape_cast %broadcast_in_dim3A_106 : vector<16xf32> to vector<1x16xf32>
      tpu.vector_store %arg4[%swap3A, %swap3A_107], %swap3A_110 {strides = array<i32>} : memref<8x2048xf32, #tpu.memory_space<vmem>>, vector<1x16xf32>,
      %scan3A_111 = arith.constant 0 : i32
      scf.yield %scan3A_111 : i32
    }
    %scan3A_47 = arith.constant 1024 : i32
    %run_scoped3A_48 = arith.constant 4 : i32
    "tpu.region"() ({
      %run_scoped3A_62 = tpu.sem_alloc : memref<!tpu.dma_semaphore, #tpu.memory_space<semaphore_mem>>
      %dma_start3A = tpu.memref_slice %arg3[%run_scoped3A_48, %mul3A_18, %mul3A_34] : memref<11x128x4096xf32, #tpu.memory_space<hbm>> -> memref<1x8x2048xf32, #tpu.memory_space<hbm>>
      %dma_start3A_63 = tpu.memref_squeeze %dma_start3A : memref<1x8x2048xf32, #tpu.memory_space<hbm>> -> memref<8x2048xf32, #tpu.memory_space<hbm>>
      %dma_start3A_64 = tpu.memref_slice %arg3[%run_scoped3A_48, %mul3A_18, %mul3A_34] : memref<11x128x4096xf32, #tpu.memory_space<hbm>> -> memref<1x8x2048xf32, #tpu.memory_space<hbm>>
      %dma_start3A_65 = tpu.memref_squeeze %dma_start3A_64 : memref<1x8x2048xf32, #tpu.memory_space<hbm>> -> memref<8x2048xf32, #tpu.memory_space<hbm>>
      tpu.enqueue_dma source(%arg4 : memref<8x2048xf32, #tpu.memory_space<vmem>>) target(%dma_start3A_65 : memref<8x2048xf32, #tpu.memory_space<hbm>>) target_semaphore(%run_scoped3A_62 : memref<!tpu.dma_semaphore, #tpu.memory_space<semaphore_mem>>)
      %dma_wait3A = tpu.memref_slice %arg3[%run_scoped3A_48, %mul3A_18, %mul3A_34] : memref<11x128x4096xf32, #tpu.memory_space<hbm>> -> memref<1x8x2048xf32, #tpu.memory_space<hbm>>
      %dma_wait3A_66 = tpu.memref_squeeze %dma_wait3A : memref<1x8x2048xf32, #tpu.memory_space<hbm>> -> memref<8x2048xf32, #tpu.memory_space<hbm>>
      %dma_wait3A_67 = tpu.memref_slice %arg3[%run_scoped3A_48, %mul3A_18, %mul3A_34] : memref<11x128x4096xf32, #tpu.memory_space<hbm>> -> memref<1x8x2048xf32, #tpu.memory_space<hbm>>
      %dma_wait3A_68 = tpu.memref_squeeze %dma_wait3A_67 : memref<1x8x2048xf32, #tpu.memory_space<hbm>> -> memref<8x2048xf32, #tpu.memory_space<hbm>>
      tpu.wait_dma2 semaphore(%run_scoped3A_62 : memref<!tpu.dma_semaphore, #tpu.memory_space<semaphore_mem>>) src(%arg4 : memref<8x2048xf32, #tpu.memory_space<vmem>>) dst(%dma_wait3A_68 : memref<8x2048xf32, #tpu.memory_space<hbm>>)
      tpu.yield
    }) : () -> ()
    %run_scoped3A_49 = arith.constant 5 : i32
    "tpu.region"() ({
      %run_scoped3A_62 = tpu.sem_alloc : memref<!tpu.dma_semaphore, #tpu.memory_space<semaphore_mem>>
      %dma_start3A = tpu.memref_slice %arg3[%run_scoped3A_49, %mul3A_18, %mul3A_34] : memref<11x128x4096xf32, #tpu.memory_space<hbm>> -> memref<1x8x2048xf32, #tpu.memory_space<hbm>>
      %dma_start3A_63 = tpu.memref_squeeze %dma_start3A : memref<1x8x2048xf32, #tpu.memory_space<hbm>> -> memref<8x2048xf32, #tpu.memory_space<hbm>>
      %dma_start3A_64 = tpu.memref_slice %arg3[%run_scoped3A_49, %mul3A_18, %mul3A_34] : memref<11x128x4096xf32, #tpu.memory_space<hbm>> -> memref<1x8x2048xf32, #tpu.memory_space<hbm>>
      %dma_start3A_65 = tpu.memref_squeeze %dma_start3A_64 : memref<1x8x2048xf32, #tpu.memory_space<hbm>> -> memref<8x2048xf32, #tpu.memory_space<hbm>>
      tpu.enqueue_dma source(%arg4 : memref<8x2048xf32, #tpu.memory_space<vmem>>) target(%dma_start3A_65 : memref<8x2048xf32, #tpu.memory_space<hbm>>) target_semaphore(%run_scoped3A_62 : memref<!tpu.dma_semaphore, #tpu.memory_space<semaphore_mem>>)
      %dma_wait3A = tpu.memref_slice %arg3[%run_scoped3A_49, %mul3A_18, %mul3A_34] : memref<11x128x4096xf32, #tpu.memory_space<hbm>> -> memref<1x8x2048xf32, #tpu.memory_space<hbm>>
      %dma_wait3A_66 = tpu.memref_squeeze %dma_wait3A : memref<1x8x2048xf32, #tpu.memory_space<hbm>> -> memref<8x2048xf32, #tpu.memory_space<hbm>>
      %dma_wait3A_67 = tpu.memref_slice %arg3[%run_scoped3A_49, %mul3A_18, %mul3A_34] : memref<11x128x4096xf32, #tpu.memory_space<hbm>> -> memref<1x8x2048xf32, #tpu.memory_space<hbm>>
      %dma_wait3A_68 = tpu.memref_squeeze %dma_wait3A_67 : memref<1x8x2048xf32, #tpu.memory_space<hbm>> -> memref<8x2048xf32, #tpu.memory_space<hbm>>
      tpu.wait_dma2 semaphore(%run_scoped3A_62 : memref<!tpu.dma_semaphore, #tpu.memory_space<semaphore_mem>>) src(%arg4 : memref<8x2048xf32, #tpu.memory_space<vmem>>) dst(%dma_wait3A_68 : memref<8x2048xf32, #tpu.memory_space<hbm>>)
      tpu.yield
    }) : () -> ()
    %run_scoped3A_50 = arith.constant 7 : i32
    "tpu.region"() ({
      %run_scoped3A_62 = tpu.sem_alloc : memref<!tpu.dma_semaphore, #tpu.memory_space<semaphore_mem>>
      %dma_start3A = tpu.memref_slice %arg3[%run_scoped3A_50, %mul3A_18, %mul3A_34] : memref<11x128x4096xf32, #tpu.memory_space<hbm>> -> memref<1x8x2048xf32, #tpu.memory_space<hbm>>
      %dma_start3A_63 = tpu.memref_squeeze %dma_start3A : memref<1x8x2048xf32, #tpu.memory_space<hbm>> -> memref<8x2048xf32, #tpu.memory_space<hbm>>
      %dma_start3A_64 = tpu.memref_slice %arg3[%run_scoped3A_50, %mul3A_18, %mul3A_34] : memref<11x128x4096xf32, #tpu.memory_space<hbm>> -> memref<1x8x2048xf32, #tpu.memory_space<hbm>>
      %dma_start3A_65 = tpu.memref_squeeze %dma_start3A_64 : memref<1x8x2048xf32, #tpu.memory_space<hbm>> -> memref<8x2048xf32, #tpu.memory_space<hbm>>
      tpu.enqueue_dma source(%arg4 : memref<8x2048xf32, #tpu.memory_space<vmem>>) target(%dma_start3A_65 : memref<8x2048xf32, #tpu.memory_space<hbm>>) target_semaphore(%run_scoped3A_62 : memref<!tpu.dma_semaphore, #tpu.memory_space<semaphore_mem>>)
      %dma_wait3A = tpu.memref_slice %arg3[%run_scoped3A_50, %mul3A_18, %mul3A_34] : memref<11x128x4096xf32, #tpu.memory_space<hbm>> -> memref<1x8x2048xf32, #tpu.memory_space<hbm>>
      %dma_wait3A_66 = tpu.memref_squeeze %dma_wait3A : memref<1x8x2048xf32, #tpu.memory_space<hbm>> -> memref<8x2048xf32, #tpu.memory_space<hbm>>
      %dma_wait3A_67 = tpu.memref_slice %arg3[%run_scoped3A_50, %mul3A_18, %mul3A_34] : memref<11x128x4096xf32, #tpu.memory_space<hbm>> -> memref<1x8x2048xf32, #tpu.memory_space<hbm>>
      %dma_wait3A_68 = tpu.memref_squeeze %dma_wait3A_67 : memref<1x8x2048xf32, #tpu.memory_space<hbm>> -> memref<8x2048xf32, #tpu.memory_space<hbm>>
      tpu.wait_dma2 semaphore(%run_scoped3A_62 : memref<!tpu.dma_semaphore, #tpu.memory_space<semaphore_mem>>) src(%arg4 : memref<8x2048xf32, #tpu.memory_space<vmem>>) dst(%dma_wait3A_68 : memref<8x2048xf32, #tpu.memory_space<hbm>>)
      tpu.yield
    }) : () -> ()
    %run_scoped3A_51 = arith.constant 8 : i32
    "tpu.region"() ({
      %run_scoped3A_62 = tpu.sem_alloc : memref<!tpu.dma_semaphore, #tpu.memory_space<semaphore_mem>>
      %dma_start3A = tpu.memref_slice %arg3[%run_scoped3A_51, %mul3A_18, %mul3A_34] : memref<11x128x4096xf32, #tpu.memory_space<hbm>> -> memref<1x8x2048xf32, #tpu.memory_space<hbm>>
      %dma_start3A_63 = tpu.memref_squeeze %dma_start3A : memref<1x8x2048xf32, #tpu.memory_space<hbm>> -> memref<8x2048xf32, #tpu.memory_space<hbm>>
      %dma_start3A_64 = tpu.memref_slice %arg3[%run_scoped3A_51, %mul3A_18, %mul3A_34] : memref<11x128x4096xf32, #tpu.memory_space<hbm>> -> memref<1x8x2048xf32, #tpu.memory_space<hbm>>
      %dma_start3A_65 = tpu.memref_squeeze %dma_start3A_64 : memref<1x8x2048xf32, #tpu.memory_space<hbm>> -> memref<8x2048xf32, #tpu.memory_space<hbm>>
      tpu.enqueue_dma source(%arg4 : memref<8x2048xf32, #tpu.memory_space<vmem>>) target(%dma_start3A_65 : memref<8x2048xf32, #tpu.memory_space<hbm>>) target_semaphore(%run_scoped3A_62 : memref<!tpu.dma_semaphore, #tpu.memory_space<semaphore_mem>>)
      %dma_wait3A = tpu.memref_slice %arg3[%run_scoped3A_51, %mul3A_18, %mul3A_34] : memref<11x128x4096xf32, #tpu.memory_space<hbm>> -> memref<1x8x2048xf32, #tpu.memory_space<hbm>>
      %dma_wait3A_66 = tpu.memref_squeeze %dma_wait3A : memref<1x8x2048xf32, #tpu.memory_space<hbm>> -> memref<8x2048xf32, #tpu.memory_space<hbm>>
      %dma_wait3A_67 = tpu.memref_slice %arg3[%run_scoped3A_51, %mul3A_18, %mul3A_34] : memref<11x128x4096xf32, #tpu.memory_space<hbm>> -> memref<1x8x2048xf32, #tpu.memory_space<hbm>>
      %dma_wait3A_68 = tpu.memref_squeeze %dma_wait3A_67 : memref<1x8x2048xf32, #tpu.memory_space<hbm>> -> memref<8x2048xf32, #tpu.memory_space<hbm>>
      tpu.wait_dma2 semaphore(%run_scoped3A_62 : memref<!tpu.dma_semaphore, #tpu.memory_space<semaphore_mem>>) src(%arg4 : memref<8x2048xf32, #tpu.memory_space<vmem>>) dst(%dma_wait3A_68 : memref<8x2048xf32, #tpu.memory_space<hbm>>)
      tpu.yield
    }) : () -> ()
    %run_scoped3A_52 = arith.constant 9 : i32
    "tpu.region"() ({
      %run_scoped3A_62 = tpu.sem_alloc : memref<!tpu.dma_semaphore, #tpu.memory_space<semaphore_mem>>
      %dma_start3A = tpu.memref_slice %arg3[%run_scoped3A_52, %mul3A_18, %mul3A_34] : memref<11x128x4096xf32, #tpu.memory_space<hbm>> -> memref<1x8x2048xf32, #tpu.memory_space<hbm>>
      %dma_start3A_63 = tpu.memref_squeeze %dma_start3A : memref<1x8x2048xf32, #tpu.memory_space<hbm>> -> memref<8x2048xf32, #tpu.memory_space<hbm>>
      %dma_start3A_64 = tpu.memref_slice %arg3[%run_scoped3A_52, %mul3A_18, %mul3A_34] : memref<11x128x4096xf32, #tpu.memory_space<hbm>> -> memref<1x8x2048xf32, #tpu.memory_space<hbm>>
      %dma_start3A_65 = tpu.memref_squeeze %dma_start3A_64 : memref<1x8x2048xf32, #tpu.memory_space<hbm>> -> memref<8x2048xf32, #tpu.memory_space<hbm>>
      tpu.enqueue_dma source(%arg4 : memref<8x2048xf32, #tpu.memory_space<vmem>>) target(%dma_start3A_65 : memref<8x2048xf32, #tpu.memory_space<hbm>>) target_semaphore(%run_scoped3A_62 : memref<!tpu.dma_semaphore, #tpu.memory_space<semaphore_mem>>)
      %dma_wait3A = tpu.memref_slice %arg3[%run_scoped3A_52, %mul3A_18, %mul3A_34] : memref<11x128x4096xf32, #tpu.memory_space<hbm>> -> memref<1x8x2048xf32, #tpu.memory_space<hbm>>
      %dma_wait3A_66 = tpu.memref_squeeze %dma_wait3A : memref<1x8x2048xf32, #tpu.memory_space<hbm>> -> memref<8x2048xf32, #tpu.memory_space<hbm>>
      %dma_wait3A_67 = tpu.memref_slice %arg3[%run_scoped3A_52, %mul3A_18, %mul3A_34] : memref<11x128x4096xf32, #tpu.memory_space<hbm>> -> memref<1x8x2048xf32, #tpu.memory_space<hbm>>
      %dma_wait3A_68 = tpu.memref_squeeze %dma_wait3A_67 : memref<1x8x2048xf32, #tpu.memory_space<hbm>> -> memref<8x2048xf32, #tpu.memory_space<hbm>>
      tpu.wait_dma2 semaphore(%run_scoped3A_62 : memref<!tpu.dma_semaphore, #tpu.memory_space<semaphore_mem>>) src(%arg4 : memref<8x2048xf32, #tpu.memory_space<vmem>>) dst(%dma_wait3A_68 : memref<8x2048xf32, #tpu.memory_space<hbm>>)
      tpu.yield
    }) : () -> ()
    %run_scoped3A_53 = arith.constant 10 : i32
    "tpu.region"() ({
      %run_scoped3A_62 = tpu.sem_alloc : memref<!tpu.dma_semaphore, #tpu.memory_space<semaphore_mem>>
      %dma_start3A = tpu.memref_slice %arg3[%run_scoped3A_53, %mul3A_18, %mul3A_34] : memref<11x128x4096xf32, #tpu.memory_space<hbm>> -> memref<1x8x2048xf32, #tpu.memory_space<hbm>>
      %dma_start3A_63 = tpu.memref_squeeze %dma_start3A : memref<1x8x2048xf32, #tpu.memory_space<hbm>> -> memref<8x2048xf32, #tpu.memory_space<hbm>>
      %dma_start3A_64 = tpu.memref_slice %arg3[%run_scoped3A_53, %mul3A_18, %mul3A_34] : memref<11x128x4096xf32, #tpu.memory_space<hbm>> -> memref<1x8x2048xf32, #tpu.memory_space<hbm>>
      %dma_start3A_65 = tpu.memref_squeeze %dma_start3A_64 : memref<1x8x2048xf32, #tpu.memory_space<hbm>> -> memref<8x2048xf32, #tpu.memory_space<hbm>>
      tpu.enqueue_dma source(%arg4 : memref<8x2048xf32, #tpu.memory_space<vmem>>) target(%dma_start3A_65 : memref<8x2048xf32, #tpu.memory_space<hbm>>) target_semaphore(%run_scoped3A_62 : memref<!tpu.dma_semaphore, #tpu.memory_space<semaphore_mem>>)
      %dma_wait3A = tpu.memref_slice %arg3[%run_scoped3A_53, %mul3A_18, %mul3A_34] : memref<11x128x4096xf32, #tpu.memory_space<hbm>> -> memref<1x8x2048xf32, #tpu.memory_space<hbm>>
      %dma_wait3A_66 = tpu.memref_squeeze %dma_wait3A : memref<1x8x2048xf32, #tpu.memory_space<hbm>> -> memref<8x2048xf32, #tpu.memory_space<hbm>>
      %dma_wait3A_67 = tpu.memref_slice %arg3[%run_scoped3A_53, %mul3A_18, %mul3A_34] : memref<11x128x4096xf32, #tpu.memory_space<hbm>> -> memref<1x8x2048xf32, #tpu.memory_space<hbm>>
      %dma_wait3A_68 = tpu.memref_squeeze %dma_wait3A_67 : memref<1x8x2048xf32, #tpu.memory_space<hbm>> -> memref<8x2048xf32, #tpu.memory_space<hbm>>
      tpu.wait_dma2 semaphore(%run_scoped3A_62 : memref<!tpu.dma_semaphore, #tpu.memory_space<semaphore_mem>>) src(%arg4 : memref<8x2048xf32, #tpu.memory_space<vmem>>) dst(%dma_wait3A_68 : memref<8x2048xf32, #tpu.memory_space<hbm>>)
      tpu.yield
    }) : () -> ()
    %scan3A_54 = arith.constant 0 : i32
    %scan3A_55 = arith.constant 0 : i32
    %scan3A_56 = arith.constant 1024 : i32
    %scan3A_57 = arith.addi %scan3A_55, %scan3A_56 : i32
    %scan3A_58 = arith.constant 1 : i32
    %scan3A_59 = scf.for %scan3A_62 = %scan3A_55 to %scan3A_57 step %scan3A_58 iter_args(%scan3A_63 = %scan3A_54) -> (i32)  : i32 {
      %jit3A_64 = arith.constant 128 : i32
      %div3A_65 = arith.divsi %scan3A_62, %jit3A_64 : i32
      %sign3A_66 = arith.constant 0 : i32
      %sign3A_67 = arith.cmpi sgt, %scan3A_62, %sign3A_66 : i32
      %sign3A_68 = arith.extui %sign3A_67 : i1 to i32
      %sign3A_69 = arith.constant 0 : i32
      %sign3A_70 = arith.cmpi slt, %scan3A_62, %sign3A_69 : i32
      %sign3A_71 = arith.extui %sign3A_70 : i1 to i32
      %sign3A_72 = arith.subi %sign3A_68, %sign3A_71 : i32
      %sign3A_73 = arith.constant 0 : i32
      %sign3A_74 = arith.cmpi sgt, %jit3A_64, %sign3A_73 : i32
      %sign3A_75 = arith.extui %sign3A_74 : i1 to i32
      %sign3A_76 = arith.constant 0 : i32
      %sign3A_77 = arith.cmpi slt, %jit3A_64, %sign3A_76 : i32
      %sign3A_78 = arith.extui %sign3A_77 : i1 to i32
      %sign3A_79 = arith.subi %sign3A_75, %sign3A_78 : i32
      %ne3A_80 = arith.cmpi ne, %sign3A_72, %sign3A_79 : i32
      %rem3A_81 = arith.remsi %scan3A_62, %jit3A_64 : i32
      %ne3A_82 = arith.constant 0 : i32
      %ne3A_83 = arith.cmpi ne, %rem3A_81, %ne3A_82 : i32
      %and3A_84 = arith.andi %ne3A_80, %ne3A_83 : i1
      %sub3A_85 = arith.constant 1 : i32
      %sub3A_86 = arith.subi %div3A_65, %sub3A_85 : i32
      %select_n3A_87 = arith.select %and3A_84, %sub3A_86, %div3A_65 : i32
      %jit3A_88 = arith.constant 128 : i32
      %eq3A_89 = arith.constant 0 : i32
      %eq3A_90 = arith.cmpi eq, %jit3A_88, %eq3A_89 : i32
      %jit3A_91 = arith.constant 1 : i32
      %select_n3A_92 = arith.select %eq3A_90, %jit3A_91, %jit3A_88 : i32
      %rem3A_93 = arith.remsi %scan3A_62, %select_n3A_92 : i32
      %ne3A_94 = arith.constant 0 : i32
      %ne3A_95 = arith.cmpi ne, %rem3A_93, %ne3A_94 : i32
      %lt3A_96 = arith.constant 0 : i32
      %lt3A_97 = arith.cmpi slt, %rem3A_93, %lt3A_96 : i32
      %lt3A_98 = arith.constant 0 : i32
      %lt3A_99 = arith.cmpi slt, %select_n3A_92, %lt3A_98 : i32
      %ne3A_100 = arith.xori %lt3A_97, %lt3A_99 : i1
      %and3A_101 = arith.andi %ne3A_100, %ne3A_95 : i1
      %add3A_102 = arith.addi %rem3A_93, %select_n3A_92 : i32
      %select_n3A_103 = arith.select %and3A_101, %add3A_102, %rem3A_93 : i32
      %mul3A_104 = arith.constant 16 : i32
      %mul3A_105 = arith.muli %select_n3A_103, %mul3A_104 : i32
      %broadcast_in_dim3A = arith.constant 1.000000e+00 : f32
      %broadcast_in_dim3A_106 = vector.broadcast %broadcast_in_dim3A : f32 to vector<16xf32>
      %swap3A = arith.index_cast %select_n3A_87 : i32 to index
      %swap3A_107 = arith.index_cast %mul3A_105 : i32 to index
      %swap3A_108 = tpu.vector_load %arg4[%swap3A, %swap3A_107] {strides = array<i32>} : memref<8x2048xf32, #tpu.memory_space<vmem>>, vector<1x16xf32>,
      %swap3A_109 = vector.shape_cast %swap3A_108 : vector<1x16xf32> to vector<16xf32>
      %swap3A_110 = vector.shape_cast %broadcast_in_dim3A_106 : vector<16xf32> to vector<1x16xf32>
      tpu.vector_store %arg4[%swap3A, %swap3A_107], %swap3A_110 {strides = array<i32>} : memref<8x2048xf32, #tpu.memory_space<vmem>>, vector<1x16xf32>,
      %scan3A_111 = arith.constant 0 : i32
      scf.yield %scan3A_111 : i32
    }
    %scan3A_60 = arith.constant 1024 : i32
    %run_scoped3A_61 = arith.constant 6 : i32
    "tpu.region"() ({
      %run_scoped3A_62 = tpu.sem_alloc : memref<!tpu.dma_semaphore, #tpu.memory_space<semaphore_mem>>
      %dma_start3A = tpu.memref_slice %arg3[%run_scoped3A_61, %mul3A_18, %mul3A_34] : memref<11x128x4096xf32, #tpu.memory_space<hbm>> -> memref<1x8x2048xf32, #tpu.memory_space<hbm>>
      %dma_start3A_63 = tpu.memref_squeeze %dma_start3A : memref<1x8x2048xf32, #tpu.memory_space<hbm>> -> memref<8x2048xf32, #tpu.memory_space<hbm>>
      %dma_start3A_64 = tpu.memref_slice %arg3[%run_scoped3A_61, %mul3A_18, %mul3A_34] : memref<11x128x4096xf32, #tpu.memory_space<hbm>> -> memref<1x8x2048xf32, #tpu.memory_space<hbm>>
      %dma_start3A_65 = tpu.memref_squeeze %dma_start3A_64 : memref<1x8x2048xf32, #tpu.memory_space<hbm>> -> memref<8x2048xf32, #tpu.memory_space<hbm>>
      tpu.enqueue_dma source(%arg4 : memref<8x2048xf32, #tpu.memory_space<vmem>>) target(%dma_start3A_65 : memref<8x2048xf32, #tpu.memory_space<hbm>>) target_semaphore(%run_scoped3A_62 : memref<!tpu.dma_semaphore, #tpu.memory_space<semaphore_mem>>)
      %dma_wait3A = tpu.memref_slice %arg3[%run_scoped3A_61, %mul3A_18, %mul3A_34] : memref<11x128x4096xf32, #tpu.memory_space<hbm>> -> memref<1x8x2048xf32, #tpu.memory_space<hbm>>
      %dma_wait3A_66 = tpu.memref_squeeze %dma_wait3A : memref<1x8x2048xf32, #tpu.memory_space<hbm>> -> memref<8x2048xf32, #tpu.memory_space<hbm>>
      %dma_wait3A_67 = tpu.memref_slice %arg3[%run_scoped3A_61, %mul3A_18, %mul3A_34] : memref<11x128x4096xf32, #tpu.memory_space<hbm>> -> memref<1x8x2048xf32, #tpu.memory_space<hbm>>
      %dma_wait3A_68 = tpu.memref_squeeze %dma_wait3A_67 : memref<1x8x2048xf32, #tpu.memory_space<hbm>> -> memref<8x2048xf32, #tpu.memory_space<hbm>>
      tpu.wait_dma2 semaphore(%run_scoped3A_62 : memref<!tpu.dma_semaphore, #tpu.memory_space<semaphore_mem>>) src(%arg4 : memref<8x2048xf32, #tpu.memory_space<vmem>>) dst(%dma_wait3A_68 : memref<8x2048xf32, #tpu.memory_space<hbm>>)
      tpu.yield
    }) : () -> ()
    return
  }
}

module attributes {stable_mosaic.version = 14 : i64} {
  func.func @_fused_kernel(%arg0: i32, %arg1: memref<10x8x4096xf32, #tpu.memory_space<vmem>>, %arg2: memref<64x10xf32, #tpu.memory_space<vmem>>, %arg3: memref<64x1xf32, #tpu.memory_space<vmem>>, %arg4: memref<64x64xf32, #tpu.memory_space<vmem>>, %arg5: memref<64x1xf32, #tpu.memory_space<vmem>>, %arg6: memref<8x64x4096xf32, #tpu.memory_space<vmem>>, %arg7: memref<8x4096xi32, #tpu.memory_space<vmem>>) attributes {dimension_semantics = [#tpu.dimension_semantics<arbitrary>], iteration_bounds = array<i64: 16>, scalar_prefetch = 0 : i64, scratch_operands = 0 : i64, tpu.core_type = #tpu.core_type<tc>, window_params = [{transform_indices = @transform_0, window_bounds = array<i64: 10, 8, 4096>}, {pipeline_mode = #tpu.pipeline_mode<synchronous>, transform_indices = @transform_1, window_bounds = array<i64: 64, 10>}, {pipeline_mode = #tpu.pipeline_mode<synchronous>, transform_indices = @transform_2, window_bounds = array<i64: 64, 1>}, {pipeline_mode = #tpu.pipeline_mode<synchronous>, transform_indices = @transform_3, window_bounds = array<i64: 64, 64>}, {pipeline_mode = #tpu.pipeline_mode<synchronous>, transform_indices = @transform_4, window_bounds = array<i64: 64, 1>}, {transform_indices = @transform_5, window_bounds = array<i64: 8, 64, 4096>}, {transform_indices = @transform_6, window_bounds = array<i64: 8, 4096>}]} {
    %get3A = arith.constant 0 : index
    %get3A_0 = arith.constant 0 : index
    %get3A_1 = vector.load %arg2[%get3A, %get3A_0] : memref<64x10xf32, #tpu.memory_space<vmem>>, vector<64x10xf32>
    %get3A_2 = arith.constant 0 : index
    %get3A_3 = arith.constant 0 : index
    %get3A_4 = vector.load %arg4[%get3A_2, %get3A_3] : memref<64x64xf32, #tpu.memory_space<vmem>>, vector<64x64xf32>
    %get3A_5 = arith.constant 0 : index
    %get3A_6 = arith.constant 0 : index
    %get3A_7 = vector.load %arg3[%get3A_5, %get3A_6] : memref<64x1xf32, #tpu.memory_space<vmem>>, vector<64x1xf32>
    %get3A_8 = arith.constant 0 : index
    %get3A_9 = arith.constant 0 : index
    %get3A_10 = vector.load %arg5[%get3A_8, %get3A_9] : memref<64x1xf32, #tpu.memory_space<vmem>>, vector<64x1xf32>
    %get3A_11 = arith.constant 0 : index
    %get3A_12 = arith.constant 0 : index
    %get3A_13 = arith.constant 0 : index
    %get3A_14 = vector.load %arg1[%get3A_11, %get3A_12, %get3A_13] : memref<10x8x4096xf32, #tpu.memory_space<vmem>>, vector<10x1x4096xf32>
    %get3A_15 = vector.shape_cast %get3A_14 : vector<10x1x4096xf32> to vector<10x4096xf32>
    %ne3A = arith.constant 0.000000e+00 : f32
    %ne3A_16 = vector.broadcast %ne3A : f32 to vector<10x4096xf32>
    %ne3A_17 = arith.cmpf one, %get3A_15, %ne3A_16 : vector<10x4096xf32>
    %convert_element_type3A = arith.extui %ne3A_17 : vector<10x4096xi1> to vector<10x4096xi32>
    %convert_element_type3A_18 = arith.sitofp %convert_element_type3A : vector<10x4096xi32> to vector<10x4096xf32>
    %reduce_sum3A = arith.constant dense<0.000000e+00> : vector<4096xf32>
    %reduce_sum3A_19 = vector.multi_reduction <add>, %convert_element_type3A_18, %reduce_sum3A [0] : vector<10x4096xf32> to vector<4096xf32>
    %broadcast_in_dim3A = vector.shape_cast %reduce_sum3A_19 : vector<4096xf32> to vector<1x4096xf32>
    %eq3A = arith.constant 0.000000e+00 : f32
    %eq3A_20 = vector.broadcast %eq3A : f32 to vector<1x4096xf32>
    %eq3A_21 = arith.cmpf oeq, %broadcast_in_dim3A, %eq3A_20 : vector<1x4096xf32>
    %squeeze3A = vector.shape_cast %eq3A_21 : vector<1x4096xi1> to vector<4096xi1>
    %swap3A = arith.constant 0 : index
    %swap3A_22 = arith.constant 0 : index
    %swap3A_23 = vector.load %arg7[%swap3A, %swap3A_22] : memref<8x4096xi32, #tpu.memory_space<vmem>>, vector<1x4096xi32>
    %swap3A_24 = arith.extui %squeeze3A : vector<4096xi1> to vector<4096xi32>
    %swap3A_25 = vector.shape_cast %swap3A_23 : vector<1x4096xi32> to vector<4096xi32>
    %swap3A_26 = vector.shape_cast %swap3A_24 : vector<4096xi32> to vector<1x4096xi32>
    %swap3A_27 = arith.constant dense<0> : vector<4096xi32>
    %swap3A_28 = arith.cmpi ne, %swap3A_25, %swap3A_27 : vector<4096xi32>
    tpu.vector_store %arg7[%swap3A, %swap3A_22], %swap3A_26 {strides = array<i32>} : memref<8x4096xi32, #tpu.memory_space<vmem>>, vector<1x4096xi32>,
    %dot_general3A = arith.constant dense<0.000000e+00> : vector<64x4096xf32>
    %dot_general3A_29 = tpu.matmul %get3A_1, %get3A_15, %dot_general3A {dimension_numbers = #tpu.dot_dimension_numbers<[1], [0], [0], [1], [0, 0, 1, 1], [], []>, transpose_lhs_hint = false} : vector<64x10xf32>, vector<10x4096xf32>, vector<64x4096xf32> -> vector<64x4096xf32>
    %add3A = vector.broadcast %get3A_7 : vector<64x1xf32> to vector<64x4096xf32>
    %add3A_30 = arith.addf %dot_general3A_29, %add3A : vector<64x4096xf32>
    %mul3A = arith.constant 5.000000e-01 : f32
    %mul3A_31 = vector.broadcast %mul3A : f32 to vector<64x4096xf32>
    %mul3A_32 = arith.mulf %mul3A_31, %add3A_30 : vector<64x4096xf32>
    %mul3A_33 = arith.constant 0.707106769 : f32
    %mul3A_34 = vector.broadcast %mul3A_33 : f32 to vector<64x4096xf32>
    %mul3A_35 = arith.mulf %add3A_30, %mul3A_34 : vector<64x4096xf32>
    %erf3A = math.erf %mul3A_35 : vector<64x4096xf32>
    %add3A_36 = arith.constant 1.000000e+00 : f32
    %add3A_37 = vector.broadcast %add3A_36 : f32 to vector<64x4096xf32>
    %add3A_38 = arith.addf %add3A_37, %erf3A : vector<64x4096xf32>
    %mul3A_39 = arith.mulf %mul3A_32, %add3A_38 : vector<64x4096xf32>
    %dot_general3A_40 = arith.constant dense<0.000000e+00> : vector<64x4096xf32>
    %dot_general3A_41 = tpu.matmul %get3A_4, %mul3A_39, %dot_general3A_40 {dimension_numbers = #tpu.dot_dimension_numbers<[1], [0], [0], [1], [0, 0, 1, 1], [], []>, transpose_lhs_hint = false} : vector<64x64xf32>, vector<64x4096xf32>, vector<64x4096xf32> -> vector<64x4096xf32>
    %add3A_42 = vector.broadcast %get3A_10 : vector<64x1xf32> to vector<64x4096xf32>
    %add3A_43 = arith.addf %dot_general3A_41, %add3A_42 : vector<64x4096xf32>
    %min3A = arith.constant 1.000000e+00 : f32
    %min3A_44 = vector.broadcast %min3A : f32 to vector<1x4096xf32>
    %min3A_45 = arith.minimumf %broadcast_in_dim3A, %min3A_44 : vector<1x4096xf32>
    %mul3A_46 = vector.broadcast %min3A_45 : vector<1x4096xf32> to vector<64x4096xf32>
    %mul3A_47 = arith.mulf %add3A_43, %mul3A_46 : vector<64x4096xf32>
    %swap3A_48 = arith.constant 0 : index
    %swap3A_49 = arith.constant 0 : index
    %swap3A_50 = arith.constant 0 : index
    %swap3A_51 = vector.load %arg6[%swap3A_48, %swap3A_49, %swap3A_50] : memref<8x64x4096xf32, #tpu.memory_space<vmem>>, vector<1x64x4096xf32>
    %swap3A_52 = vector.shape_cast %swap3A_51 : vector<1x64x4096xf32> to vector<64x4096xf32>
    %swap3A_53 = vector.shape_cast %mul3A_47 : vector<64x4096xf32> to vector<1x64x4096xf32>
    tpu.vector_store %arg6[%swap3A_48, %swap3A_49, %swap3A_50], %swap3A_53 {strides = array<i32>} : memref<8x64x4096xf32, #tpu.memory_space<vmem>>, vector<1x64x4096xf32>,
    %get3A_54 = arith.constant 0 : index
    %get3A_55 = arith.constant 1 : index
    %get3A_56 = arith.constant 0 : index
    %get3A_57 = vector.load %arg1[%get3A_54, %get3A_55, %get3A_56] : memref<10x8x4096xf32, #tpu.memory_space<vmem>>, vector<10x1x4096xf32>
    %get3A_58 = vector.shape_cast %get3A_57 : vector<10x1x4096xf32> to vector<10x4096xf32>
    %ne3A_59 = arith.constant 0.000000e+00 : f32
    %ne3A_60 = vector.broadcast %ne3A_59 : f32 to vector<10x4096xf32>
    %ne3A_61 = arith.cmpf one, %get3A_58, %ne3A_60 : vector<10x4096xf32>
    %convert_element_type3A_62 = arith.extui %ne3A_61 : vector<10x4096xi1> to vector<10x4096xi32>
    %convert_element_type3A_63 = arith.sitofp %convert_element_type3A_62 : vector<10x4096xi32> to vector<10x4096xf32>
    %reduce_sum3A_64 = arith.constant dense<0.000000e+00> : vector<4096xf32>
    %reduce_sum3A_65 = vector.multi_reduction <add>, %convert_element_type3A_63, %reduce_sum3A_64 [0] : vector<10x4096xf32> to vector<4096xf32>
    %broadcast_in_dim3A_66 = vector.shape_cast %reduce_sum3A_65 : vector<4096xf32> to vector<1x4096xf32>
    %eq3A_67 = arith.constant 0.000000e+00 : f32
    %eq3A_68 = vector.broadcast %eq3A_67 : f32 to vector<1x4096xf32>
    %eq3A_69 = arith.cmpf oeq, %broadcast_in_dim3A_66, %eq3A_68 : vector<1x4096xf32>
    %squeeze3A_70 = vector.shape_cast %eq3A_69 : vector<1x4096xi1> to vector<4096xi1>
    %swap3A_71 = arith.constant 1 : index
    %swap3A_72 = arith.constant 0 : index
    %swap3A_73 = vector.load %arg7[%swap3A_71, %swap3A_72] : memref<8x4096xi32, #tpu.memory_space<vmem>>, vector<1x4096xi32>
    %swap3A_74 = arith.extui %squeeze3A_70 : vector<4096xi1> to vector<4096xi32>
    %swap3A_75 = vector.shape_cast %swap3A_73 : vector<1x4096xi32> to vector<4096xi32>
    %swap3A_76 = vector.shape_cast %swap3A_74 : vector<4096xi32> to vector<1x4096xi32>
    %swap3A_77 = arith.constant dense<0> : vector<4096xi32>
    %swap3A_78 = arith.cmpi ne, %swap3A_75, %swap3A_77 : vector<4096xi32>
    tpu.vector_store %arg7[%swap3A_71, %swap3A_72], %swap3A_76 {strides = array<i32>} : memref<8x4096xi32, #tpu.memory_space<vmem>>, vector<1x4096xi32>,
    %dot_general3A_79 = arith.constant dense<0.000000e+00> : vector<64x4096xf32>
    %dot_general3A_80 = tpu.matmul %get3A_1, %get3A_58, %dot_general3A_79 {dimension_numbers = #tpu.dot_dimension_numbers<[1], [0], [0], [1], [0, 0, 1, 1], [], []>, transpose_lhs_hint = false} : vector<64x10xf32>, vector<10x4096xf32>, vector<64x4096xf32> -> vector<64x4096xf32>
    %add3A_81 = vector.broadcast %get3A_7 : vector<64x1xf32> to vector<64x4096xf32>
    %add3A_82 = arith.addf %dot_general3A_80, %add3A_81 : vector<64x4096xf32>
    %mul3A_83 = arith.constant 5.000000e-01 : f32
    %mul3A_84 = vector.broadcast %mul3A_83 : f32 to vector<64x4096xf32>
    %mul3A_85 = arith.mulf %mul3A_84, %add3A_82 : vector<64x4096xf32>
    %mul3A_86 = arith.constant 0.707106769 : f32
    %mul3A_87 = vector.broadcast %mul3A_86 : f32 to vector<64x4096xf32>
    %mul3A_88 = arith.mulf %add3A_82, %mul3A_87 : vector<64x4096xf32>
    %erf3A_89 = math.erf %mul3A_88 : vector<64x4096xf32>
    %add3A_90 = arith.constant 1.000000e+00 : f32
    %add3A_91 = vector.broadcast %add3A_90 : f32 to vector<64x4096xf32>
    %add3A_92 = arith.addf %add3A_91, %erf3A_89 : vector<64x4096xf32>
    %mul3A_93 = arith.mulf %mul3A_85, %add3A_92 : vector<64x4096xf32>
    %dot_general3A_94 = arith.constant dense<0.000000e+00> : vector<64x4096xf32>
    %dot_general3A_95 = tpu.matmul %get3A_4, %mul3A_93, %dot_general3A_94 {dimension_numbers = #tpu.dot_dimension_numbers<[1], [0], [0], [1], [0, 0, 1, 1], [], []>, transpose_lhs_hint = false} : vector<64x64xf32>, vector<64x4096xf32>, vector<64x4096xf32> -> vector<64x4096xf32>
    %add3A_96 = vector.broadcast %get3A_10 : vector<64x1xf32> to vector<64x4096xf32>
    %add3A_97 = arith.addf %dot_general3A_95, %add3A_96 : vector<64x4096xf32>
    %min3A_98 = arith.constant 1.000000e+00 : f32
    %min3A_99 = vector.broadcast %min3A_98 : f32 to vector<1x4096xf32>
    %min3A_100 = arith.minimumf %broadcast_in_dim3A_66, %min3A_99 : vector<1x4096xf32>
    %mul3A_101 = vector.broadcast %min3A_100 : vector<1x4096xf32> to vector<64x4096xf32>
    %mul3A_102 = arith.mulf %add3A_97, %mul3A_101 : vector<64x4096xf32>
    %swap3A_103 = arith.constant 1 : index
    %swap3A_104 = arith.constant 0 : index
    %swap3A_105 = arith.constant 0 : index
    %swap3A_106 = vector.load %arg6[%swap3A_103, %swap3A_104, %swap3A_105] : memref<8x64x4096xf32, #tpu.memory_space<vmem>>, vector<1x64x4096xf32>
    %swap3A_107 = vector.shape_cast %swap3A_106 : vector<1x64x4096xf32> to vector<64x4096xf32>
    %swap3A_108 = vector.shape_cast %mul3A_102 : vector<64x4096xf32> to vector<1x64x4096xf32>
    tpu.vector_store %arg6[%swap3A_103, %swap3A_104, %swap3A_105], %swap3A_108 {strides = array<i32>} : memref<8x64x4096xf32, #tpu.memory_space<vmem>>, vector<1x64x4096xf32>,
    %get3A_109 = arith.constant 0 : index
    %get3A_110 = arith.constant 2 : index
    %get3A_111 = arith.constant 0 : index
    %get3A_112 = vector.load %arg1[%get3A_109, %get3A_110, %get3A_111] : memref<10x8x4096xf32, #tpu.memory_space<vmem>>, vector<10x1x4096xf32>
    %get3A_113 = vector.shape_cast %get3A_112 : vector<10x1x4096xf32> to vector<10x4096xf32>
    %ne3A_114 = arith.constant 0.000000e+00 : f32
    %ne3A_115 = vector.broadcast %ne3A_114 : f32 to vector<10x4096xf32>
    %ne3A_116 = arith.cmpf one, %get3A_113, %ne3A_115 : vector<10x4096xf32>
    %convert_element_type3A_117 = arith.extui %ne3A_116 : vector<10x4096xi1> to vector<10x4096xi32>
    %convert_element_type3A_118 = arith.sitofp %convert_element_type3A_117 : vector<10x4096xi32> to vector<10x4096xf32>
    %reduce_sum3A_119 = arith.constant dense<0.000000e+00> : vector<4096xf32>
    %reduce_sum3A_120 = vector.multi_reduction <add>, %convert_element_type3A_118, %reduce_sum3A_119 [0] : vector<10x4096xf32> to vector<4096xf32>
    %broadcast_in_dim3A_121 = vector.shape_cast %reduce_sum3A_120 : vector<4096xf32> to vector<1x4096xf32>
    %eq3A_122 = arith.constant 0.000000e+00 : f32
    %eq3A_123 = vector.broadcast %eq3A_122 : f32 to vector<1x4096xf32>
    %eq3A_124 = arith.cmpf oeq, %broadcast_in_dim3A_121, %eq3A_123 : vector<1x4096xf32>
    %squeeze3A_125 = vector.shape_cast %eq3A_124 : vector<1x4096xi1> to vector<4096xi1>
    %swap3A_126 = arith.constant 2 : index
    %swap3A_127 = arith.constant 0 : index
    %swap3A_128 = vector.load %arg7[%swap3A_126, %swap3A_127] : memref<8x4096xi32, #tpu.memory_space<vmem>>, vector<1x4096xi32>
    %swap3A_129 = arith.extui %squeeze3A_125 : vector<4096xi1> to vector<4096xi32>
    %swap3A_130 = vector.shape_cast %swap3A_128 : vector<1x4096xi32> to vector<4096xi32>
    %swap3A_131 = vector.shape_cast %swap3A_129 : vector<4096xi32> to vector<1x4096xi32>
    %swap3A_132 = arith.constant dense<0> : vector<4096xi32>
    %swap3A_133 = arith.cmpi ne, %swap3A_130, %swap3A_132 : vector<4096xi32>
    tpu.vector_store %arg7[%swap3A_126, %swap3A_127], %swap3A_131 {strides = array<i32>} : memref<8x4096xi32, #tpu.memory_space<vmem>>, vector<1x4096xi32>,
    %dot_general3A_134 = arith.constant dense<0.000000e+00> : vector<64x4096xf32>
    %dot_general3A_135 = tpu.matmul %get3A_1, %get3A_113, %dot_general3A_134 {dimension_numbers = #tpu.dot_dimension_numbers<[1], [0], [0], [1], [0, 0, 1, 1], [], []>, transpose_lhs_hint = false} : vector<64x10xf32>, vector<10x4096xf32>, vector<64x4096xf32> -> vector<64x4096xf32>
    %add3A_136 = vector.broadcast %get3A_7 : vector<64x1xf32> to vector<64x4096xf32>
    %add3A_137 = arith.addf %dot_general3A_135, %add3A_136 : vector<64x4096xf32>
    %mul3A_138 = arith.constant 5.000000e-01 : f32
    %mul3A_139 = vector.broadcast %mul3A_138 : f32 to vector<64x4096xf32>
    %mul3A_140 = arith.mulf %mul3A_139, %add3A_137 : vector<64x4096xf32>
    %mul3A_141 = arith.constant 0.707106769 : f32
    %mul3A_142 = vector.broadcast %mul3A_141 : f32 to vector<64x4096xf32>
    %mul3A_143 = arith.mulf %add3A_137, %mul3A_142 : vector<64x4096xf32>
    %erf3A_144 = math.erf %mul3A_143 : vector<64x4096xf32>
    %add3A_145 = arith.constant 1.000000e+00 : f32
    %add3A_146 = vector.broadcast %add3A_145 : f32 to vector<64x4096xf32>
    %add3A_147 = arith.addf %add3A_146, %erf3A_144 : vector<64x4096xf32>
    %mul3A_148 = arith.mulf %mul3A_140, %add3A_147 : vector<64x4096xf32>
    %dot_general3A_149 = arith.constant dense<0.000000e+00> : vector<64x4096xf32>
    %dot_general3A_150 = tpu.matmul %get3A_4, %mul3A_148, %dot_general3A_149 {dimension_numbers = #tpu.dot_dimension_numbers<[1], [0], [0], [1], [0, 0, 1, 1], [], []>, transpose_lhs_hint = false} : vector<64x64xf32>, vector<64x4096xf32>, vector<64x4096xf32> -> vector<64x4096xf32>
    %add3A_151 = vector.broadcast %get3A_10 : vector<64x1xf32> to vector<64x4096xf32>
    %add3A_152 = arith.addf %dot_general3A_150, %add3A_151 : vector<64x4096xf32>
    %min3A_153 = arith.constant 1.000000e+00 : f32
    %min3A_154 = vector.broadcast %min3A_153 : f32 to vector<1x4096xf32>
    %min3A_155 = arith.minimumf %broadcast_in_dim3A_121, %min3A_154 : vector<1x4096xf32>
    %mul3A_156 = vector.broadcast %min3A_155 : vector<1x4096xf32> to vector<64x4096xf32>
    %mul3A_157 = arith.mulf %add3A_152, %mul3A_156 : vector<64x4096xf32>
    %swap3A_158 = arith.constant 2 : index
    %swap3A_159 = arith.constant 0 : index
    %swap3A_160 = arith.constant 0 : index
    %swap3A_161 = vector.load %arg6[%swap3A_158, %swap3A_159, %swap3A_160] : memref<8x64x4096xf32, #tpu.memory_space<vmem>>, vector<1x64x4096xf32>
    %swap3A_162 = vector.shape_cast %swap3A_161 : vector<1x64x4096xf32> to vector<64x4096xf32>
    %swap3A_163 = vector.shape_cast %mul3A_157 : vector<64x4096xf32> to vector<1x64x4096xf32>
    tpu.vector_store %arg6[%swap3A_158, %swap3A_159, %swap3A_160], %swap3A_163 {strides = array<i32>} : memref<8x64x4096xf32, #tpu.memory_space<vmem>>, vector<1x64x4096xf32>,
    %get3A_164 = arith.constant 0 : index
    %get3A_165 = arith.constant 3 : index
    %get3A_166 = arith.constant 0 : index
    %get3A_167 = vector.load %arg1[%get3A_164, %get3A_165, %get3A_166] : memref<10x8x4096xf32, #tpu.memory_space<vmem>>, vector<10x1x4096xf32>
    %get3A_168 = vector.shape_cast %get3A_167 : vector<10x1x4096xf32> to vector<10x4096xf32>
    %ne3A_169 = arith.constant 0.000000e+00 : f32
    %ne3A_170 = vector.broadcast %ne3A_169 : f32 to vector<10x4096xf32>
    %ne3A_171 = arith.cmpf one, %get3A_168, %ne3A_170 : vector<10x4096xf32>
    %convert_element_type3A_172 = arith.extui %ne3A_171 : vector<10x4096xi1> to vector<10x4096xi32>
    %convert_element_type3A_173 = arith.sitofp %convert_element_type3A_172 : vector<10x4096xi32> to vector<10x4096xf32>
    %reduce_sum3A_174 = arith.constant dense<0.000000e+00> : vector<4096xf32>
    %reduce_sum3A_175 = vector.multi_reduction <add>, %convert_element_type3A_173, %reduce_sum3A_174 [0] : vector<10x4096xf32> to vector<4096xf32>
    %broadcast_in_dim3A_176 = vector.shape_cast %reduce_sum3A_175 : vector<4096xf32> to vector<1x4096xf32>
    %eq3A_177 = arith.constant 0.000000e+00 : f32
    %eq3A_178 = vector.broadcast %eq3A_177 : f32 to vector<1x4096xf32>
    %eq3A_179 = arith.cmpf oeq, %broadcast_in_dim3A_176, %eq3A_178 : vector<1x4096xf32>
    %squeeze3A_180 = vector.shape_cast %eq3A_179 : vector<1x4096xi1> to vector<4096xi1>
    %swap3A_181 = arith.constant 3 : index
    %swap3A_182 = arith.constant 0 : index
    %swap3A_183 = vector.load %arg7[%swap3A_181, %swap3A_182] : memref<8x4096xi32, #tpu.memory_space<vmem>>, vector<1x4096xi32>
    %swap3A_184 = arith.extui %squeeze3A_180 : vector<4096xi1> to vector<4096xi32>
    %swap3A_185 = vector.shape_cast %swap3A_183 : vector<1x4096xi32> to vector<4096xi32>
    %swap3A_186 = vector.shape_cast %swap3A_184 : vector<4096xi32> to vector<1x4096xi32>
    %swap3A_187 = arith.constant dense<0> : vector<4096xi32>
    %swap3A_188 = arith.cmpi ne, %swap3A_185, %swap3A_187 : vector<4096xi32>
    tpu.vector_store %arg7[%swap3A_181, %swap3A_182], %swap3A_186 {strides = array<i32>} : memref<8x4096xi32, #tpu.memory_space<vmem>>, vector<1x4096xi32>,
    %dot_general3A_189 = arith.constant dense<0.000000e+00> : vector<64x4096xf32>
    %dot_general3A_190 = tpu.matmul %get3A_1, %get3A_168, %dot_general3A_189 {dimension_numbers = #tpu.dot_dimension_numbers<[1], [0], [0], [1], [0, 0, 1, 1], [], []>, transpose_lhs_hint = false} : vector<64x10xf32>, vector<10x4096xf32>, vector<64x4096xf32> -> vector<64x4096xf32>
    %add3A_191 = vector.broadcast %get3A_7 : vector<64x1xf32> to vector<64x4096xf32>
    %add3A_192 = arith.addf %dot_general3A_190, %add3A_191 : vector<64x4096xf32>
    %mul3A_193 = arith.constant 5.000000e-01 : f32
    %mul3A_194 = vector.broadcast %mul3A_193 : f32 to vector<64x4096xf32>
    %mul3A_195 = arith.mulf %mul3A_194, %add3A_192 : vector<64x4096xf32>
    %mul3A_196 = arith.constant 0.707106769 : f32
    %mul3A_197 = vector.broadcast %mul3A_196 : f32 to vector<64x4096xf32>
    %mul3A_198 = arith.mulf %add3A_192, %mul3A_197 : vector<64x4096xf32>
    %erf3A_199 = math.erf %mul3A_198 : vector<64x4096xf32>
    %add3A_200 = arith.constant 1.000000e+00 : f32
    %add3A_201 = vector.broadcast %add3A_200 : f32 to vector<64x4096xf32>
    %add3A_202 = arith.addf %add3A_201, %erf3A_199 : vector<64x4096xf32>
    %mul3A_203 = arith.mulf %mul3A_195, %add3A_202 : vector<64x4096xf32>
    %dot_general3A_204 = arith.constant dense<0.000000e+00> : vector<64x4096xf32>
    %dot_general3A_205 = tpu.matmul %get3A_4, %mul3A_203, %dot_general3A_204 {dimension_numbers = #tpu.dot_dimension_numbers<[1], [0], [0], [1], [0, 0, 1, 1], [], []>, transpose_lhs_hint = false} : vector<64x64xf32>, vector<64x4096xf32>, vector<64x4096xf32> -> vector<64x4096xf32>
    %add3A_206 = vector.broadcast %get3A_10 : vector<64x1xf32> to vector<64x4096xf32>
    %add3A_207 = arith.addf %dot_general3A_205, %add3A_206 : vector<64x4096xf32>
    %min3A_208 = arith.constant 1.000000e+00 : f32
    %min3A_209 = vector.broadcast %min3A_208 : f32 to vector<1x4096xf32>
    %min3A_210 = arith.minimumf %broadcast_in_dim3A_176, %min3A_209 : vector<1x4096xf32>
    %mul3A_211 = vector.broadcast %min3A_210 : vector<1x4096xf32> to vector<64x4096xf32>
    %mul3A_212 = arith.mulf %add3A_207, %mul3A_211 : vector<64x4096xf32>
    %swap3A_213 = arith.constant 3 : index
    %swap3A_214 = arith.constant 0 : index
    %swap3A_215 = arith.constant 0 : index
    %swap3A_216 = vector.load %arg6[%swap3A_213, %swap3A_214, %swap3A_215] : memref<8x64x4096xf32, #tpu.memory_space<vmem>>, vector<1x64x4096xf32>
    %swap3A_217 = vector.shape_cast %swap3A_216 : vector<1x64x4096xf32> to vector<64x4096xf32>
    %swap3A_218 = vector.shape_cast %mul3A_212 : vector<64x4096xf32> to vector<1x64x4096xf32>
    tpu.vector_store %arg6[%swap3A_213, %swap3A_214, %swap3A_215], %swap3A_218 {strides = array<i32>} : memref<8x64x4096xf32, #tpu.memory_space<vmem>>, vector<1x64x4096xf32>,
    %get3A_219 = arith.constant 0 : index
    %get3A_220 = arith.constant 4 : index
    %get3A_221 = arith.constant 0 : index
    %get3A_222 = vector.load %arg1[%get3A_219, %get3A_220, %get3A_221] : memref<10x8x4096xf32, #tpu.memory_space<vmem>>, vector<10x1x4096xf32>
    %get3A_223 = vector.shape_cast %get3A_222 : vector<10x1x4096xf32> to vector<10x4096xf32>
    %ne3A_224 = arith.constant 0.000000e+00 : f32
    %ne3A_225 = vector.broadcast %ne3A_224 : f32 to vector<10x4096xf32>
    %ne3A_226 = arith.cmpf one, %get3A_223, %ne3A_225 : vector<10x4096xf32>
    %convert_element_type3A_227 = arith.extui %ne3A_226 : vector<10x4096xi1> to vector<10x4096xi32>
    %convert_element_type3A_228 = arith.sitofp %convert_element_type3A_227 : vector<10x4096xi32> to vector<10x4096xf32>
    %reduce_sum3A_229 = arith.constant dense<0.000000e+00> : vector<4096xf32>
    %reduce_sum3A_230 = vector.multi_reduction <add>, %convert_element_type3A_228, %reduce_sum3A_229 [0] : vector<10x4096xf32> to vector<4096xf32>
    %broadcast_in_dim3A_231 = vector.shape_cast %reduce_sum3A_230 : vector<4096xf32> to vector<1x4096xf32>
    %eq3A_232 = arith.constant 0.000000e+00 : f32
    %eq3A_233 = vector.broadcast %eq3A_232 : f32 to vector<1x4096xf32>
    %eq3A_234 = arith.cmpf oeq, %broadcast_in_dim3A_231, %eq3A_233 : vector<1x4096xf32>
    %squeeze3A_235 = vector.shape_cast %eq3A_234 : vector<1x4096xi1> to vector<4096xi1>
    %swap3A_236 = arith.constant 4 : index
    %swap3A_237 = arith.constant 0 : index
    %swap3A_238 = vector.load %arg7[%swap3A_236, %swap3A_237] : memref<8x4096xi32, #tpu.memory_space<vmem>>, vector<1x4096xi32>
    %swap3A_239 = arith.extui %squeeze3A_235 : vector<4096xi1> to vector<4096xi32>
    %swap3A_240 = vector.shape_cast %swap3A_238 : vector<1x4096xi32> to vector<4096xi32>
    %swap3A_241 = vector.shape_cast %swap3A_239 : vector<4096xi32> to vector<1x4096xi32>
    %swap3A_242 = arith.constant dense<0> : vector<4096xi32>
    %swap3A_243 = arith.cmpi ne, %swap3A_240, %swap3A_242 : vector<4096xi32>
    tpu.vector_store %arg7[%swap3A_236, %swap3A_237], %swap3A_241 {strides = array<i32>} : memref<8x4096xi32, #tpu.memory_space<vmem>>, vector<1x4096xi32>,
    %dot_general3A_244 = arith.constant dense<0.000000e+00> : vector<64x4096xf32>
    %dot_general3A_245 = tpu.matmul %get3A_1, %get3A_223, %dot_general3A_244 {dimension_numbers = #tpu.dot_dimension_numbers<[1], [0], [0], [1], [0, 0, 1, 1], [], []>, transpose_lhs_hint = false} : vector<64x10xf32>, vector<10x4096xf32>, vector<64x4096xf32> -> vector<64x4096xf32>
    %add3A_246 = vector.broadcast %get3A_7 : vector<64x1xf32> to vector<64x4096xf32>
    %add3A_247 = arith.addf %dot_general3A_245, %add3A_246 : vector<64x4096xf32>
    %mul3A_248 = arith.constant 5.000000e-01 : f32
    %mul3A_249 = vector.broadcast %mul3A_248 : f32 to vector<64x4096xf32>
    %mul3A_250 = arith.mulf %mul3A_249, %add3A_247 : vector<64x4096xf32>
    %mul3A_251 = arith.constant 0.707106769 : f32
    %mul3A_252 = vector.broadcast %mul3A_251 : f32 to vector<64x4096xf32>
    %mul3A_253 = arith.mulf %add3A_247, %mul3A_252 : vector<64x4096xf32>
    %erf3A_254 = math.erf %mul3A_253 : vector<64x4096xf32>
    %add3A_255 = arith.constant 1.000000e+00 : f32
    %add3A_256 = vector.broadcast %add3A_255 : f32 to vector<64x4096xf32>
    %add3A_257 = arith.addf %add3A_256, %erf3A_254 : vector<64x4096xf32>
    %mul3A_258 = arith.mulf %mul3A_250, %add3A_257 : vector<64x4096xf32>
    %dot_general3A_259 = arith.constant dense<0.000000e+00> : vector<64x4096xf32>
    %dot_general3A_260 = tpu.matmul %get3A_4, %mul3A_258, %dot_general3A_259 {dimension_numbers = #tpu.dot_dimension_numbers<[1], [0], [0], [1], [0, 0, 1, 1], [], []>, transpose_lhs_hint = false} : vector<64x64xf32>, vector<64x4096xf32>, vector<64x4096xf32> -> vector<64x4096xf32>
    %add3A_261 = vector.broadcast %get3A_10 : vector<64x1xf32> to vector<64x4096xf32>
    %add3A_262 = arith.addf %dot_general3A_260, %add3A_261 : vector<64x4096xf32>
    %min3A_263 = arith.constant 1.000000e+00 : f32
    %min3A_264 = vector.broadcast %min3A_263 : f32 to vector<1x4096xf32>
    %min3A_265 = arith.minimumf %broadcast_in_dim3A_231, %min3A_264 : vector<1x4096xf32>
    %mul3A_266 = vector.broadcast %min3A_265 : vector<1x4096xf32> to vector<64x4096xf32>
    %mul3A_267 = arith.mulf %add3A_262, %mul3A_266 : vector<64x4096xf32>
    %swap3A_268 = arith.constant 4 : index
    %swap3A_269 = arith.constant 0 : index
    %swap3A_270 = arith.constant 0 : index
    %swap3A_271 = vector.load %arg6[%swap3A_268, %swap3A_269, %swap3A_270] : memref<8x64x4096xf32, #tpu.memory_space<vmem>>, vector<1x64x4096xf32>
    %swap3A_272 = vector.shape_cast %swap3A_271 : vector<1x64x4096xf32> to vector<64x4096xf32>
    %swap3A_273 = vector.shape_cast %mul3A_267 : vector<64x4096xf32> to vector<1x64x4096xf32>
    tpu.vector_store %arg6[%swap3A_268, %swap3A_269, %swap3A_270], %swap3A_273 {strides = array<i32>} : memref<8x64x4096xf32, #tpu.memory_space<vmem>>, vector<1x64x4096xf32>,
    %get3A_274 = arith.constant 0 : index
    %get3A_275 = arith.constant 5 : index
    %get3A_276 = arith.constant 0 : index
    %get3A_277 = vector.load %arg1[%get3A_274, %get3A_275, %get3A_276] : memref<10x8x4096xf32, #tpu.memory_space<vmem>>, vector<10x1x4096xf32>
    %get3A_278 = vector.shape_cast %get3A_277 : vector<10x1x4096xf32> to vector<10x4096xf32>
    %ne3A_279 = arith.constant 0.000000e+00 : f32
    %ne3A_280 = vector.broadcast %ne3A_279 : f32 to vector<10x4096xf32>
    %ne3A_281 = arith.cmpf one, %get3A_278, %ne3A_280 : vector<10x4096xf32>
    %convert_element_type3A_282 = arith.extui %ne3A_281 : vector<10x4096xi1> to vector<10x4096xi32>
    %convert_element_type3A_283 = arith.sitofp %convert_element_type3A_282 : vector<10x4096xi32> to vector<10x4096xf32>
    %reduce_sum3A_284 = arith.constant dense<0.000000e+00> : vector<4096xf32>
    %reduce_sum3A_285 = vector.multi_reduction <add>, %convert_element_type3A_283, %reduce_sum3A_284 [0] : vector<10x4096xf32> to vector<4096xf32>
    %broadcast_in_dim3A_286 = vector.shape_cast %reduce_sum3A_285 : vector<4096xf32> to vector<1x4096xf32>
    %eq3A_287 = arith.constant 0.000000e+00 : f32
    %eq3A_288 = vector.broadcast %eq3A_287 : f32 to vector<1x4096xf32>
    %eq3A_289 = arith.cmpf oeq, %broadcast_in_dim3A_286, %eq3A_288 : vector<1x4096xf32>
    %squeeze3A_290 = vector.shape_cast %eq3A_289 : vector<1x4096xi1> to vector<4096xi1>
    %swap3A_291 = arith.constant 5 : index
    %swap3A_292 = arith.constant 0 : index
    %swap3A_293 = vector.load %arg7[%swap3A_291, %swap3A_292] : memref<8x4096xi32, #tpu.memory_space<vmem>>, vector<1x4096xi32>
    %swap3A_294 = arith.extui %squeeze3A_290 : vector<4096xi1> to vector<4096xi32>
    %swap3A_295 = vector.shape_cast %swap3A_293 : vector<1x4096xi32> to vector<4096xi32>
    %swap3A_296 = vector.shape_cast %swap3A_294 : vector<4096xi32> to vector<1x4096xi32>
    %swap3A_297 = arith.constant dense<0> : vector<4096xi32>
    %swap3A_298 = arith.cmpi ne, %swap3A_295, %swap3A_297 : vector<4096xi32>
    tpu.vector_store %arg7[%swap3A_291, %swap3A_292], %swap3A_296 {strides = array<i32>} : memref<8x4096xi32, #tpu.memory_space<vmem>>, vector<1x4096xi32>,
    %dot_general3A_299 = arith.constant dense<0.000000e+00> : vector<64x4096xf32>
    %dot_general3A_300 = tpu.matmul %get3A_1, %get3A_278, %dot_general3A_299 {dimension_numbers = #tpu.dot_dimension_numbers<[1], [0], [0], [1], [0, 0, 1, 1], [], []>, transpose_lhs_hint = false} : vector<64x10xf32>, vector<10x4096xf32>, vector<64x4096xf32> -> vector<64x4096xf32>
    %add3A_301 = vector.broadcast %get3A_7 : vector<64x1xf32> to vector<64x4096xf32>
    %add3A_302 = arith.addf %dot_general3A_300, %add3A_301 : vector<64x4096xf32>
    %mul3A_303 = arith.constant 5.000000e-01 : f32
    %mul3A_304 = vector.broadcast %mul3A_303 : f32 to vector<64x4096xf32>
    %mul3A_305 = arith.mulf %mul3A_304, %add3A_302 : vector<64x4096xf32>
    %mul3A_306 = arith.constant 0.707106769 : f32
    %mul3A_307 = vector.broadcast %mul3A_306 : f32 to vector<64x4096xf32>
    %mul3A_308 = arith.mulf %add3A_302, %mul3A_307 : vector<64x4096xf32>
    %erf3A_309 = math.erf %mul3A_308 : vector<64x4096xf32>
    %add3A_310 = arith.constant 1.000000e+00 : f32
    %add3A_311 = vector.broadcast %add3A_310 : f32 to vector<64x4096xf32>
    %add3A_312 = arith.addf %add3A_311, %erf3A_309 : vector<64x4096xf32>
    %mul3A_313 = arith.mulf %mul3A_305, %add3A_312 : vector<64x4096xf32>
    %dot_general3A_314 = arith.constant dense<0.000000e+00> : vector<64x4096xf32>
    %dot_general3A_315 = tpu.matmul %get3A_4, %mul3A_313, %dot_general3A_314 {dimension_numbers = #tpu.dot_dimension_numbers<[1], [0], [0], [1], [0, 0, 1, 1], [], []>, transpose_lhs_hint = false} : vector<64x64xf32>, vector<64x4096xf32>, vector<64x4096xf32> -> vector<64x4096xf32>
    %add3A_316 = vector.broadcast %get3A_10 : vector<64x1xf32> to vector<64x4096xf32>
    %add3A_317 = arith.addf %dot_general3A_315, %add3A_316 : vector<64x4096xf32>
    %min3A_318 = arith.constant 1.000000e+00 : f32
    %min3A_319 = vector.broadcast %min3A_318 : f32 to vector<1x4096xf32>
    %min3A_320 = arith.minimumf %broadcast_in_dim3A_286, %min3A_319 : vector<1x4096xf32>
    %mul3A_321 = vector.broadcast %min3A_320 : vector<1x4096xf32> to vector<64x4096xf32>
    %mul3A_322 = arith.mulf %add3A_317, %mul3A_321 : vector<64x4096xf32>
    %swap3A_323 = arith.constant 5 : index
    %swap3A_324 = arith.constant 0 : index
    %swap3A_325 = arith.constant 0 : index
    %swap3A_326 = vector.load %arg6[%swap3A_323, %swap3A_324, %swap3A_325] : memref<8x64x4096xf32, #tpu.memory_space<vmem>>, vector<1x64x4096xf32>
    %swap3A_327 = vector.shape_cast %swap3A_326 : vector<1x64x4096xf32> to vector<64x4096xf32>
    %swap3A_328 = vector.shape_cast %mul3A_322 : vector<64x4096xf32> to vector<1x64x4096xf32>
    tpu.vector_store %arg6[%swap3A_323, %swap3A_324, %swap3A_325], %swap3A_328 {strides = array<i32>} : memref<8x64x4096xf32, #tpu.memory_space<vmem>>, vector<1x64x4096xf32>,
    %get3A_329 = arith.constant 0 : index
    %get3A_330 = arith.constant 6 : index
    %get3A_331 = arith.constant 0 : index
    %get3A_332 = vector.load %arg1[%get3A_329, %get3A_330, %get3A_331] : memref<10x8x4096xf32, #tpu.memory_space<vmem>>, vector<10x1x4096xf32>
    %get3A_333 = vector.shape_cast %get3A_332 : vector<10x1x4096xf32> to vector<10x4096xf32>
    %ne3A_334 = arith.constant 0.000000e+00 : f32
    %ne3A_335 = vector.broadcast %ne3A_334 : f32 to vector<10x4096xf32>
    %ne3A_336 = arith.cmpf one, %get3A_333, %ne3A_335 : vector<10x4096xf32>
    %convert_element_type3A_337 = arith.extui %ne3A_336 : vector<10x4096xi1> to vector<10x4096xi32>
    %convert_element_type3A_338 = arith.sitofp %convert_element_type3A_337 : vector<10x4096xi32> to vector<10x4096xf32>
    %reduce_sum3A_339 = arith.constant dense<0.000000e+00> : vector<4096xf32>
    %reduce_sum3A_340 = vector.multi_reduction <add>, %convert_element_type3A_338, %reduce_sum3A_339 [0] : vector<10x4096xf32> to vector<4096xf32>
    %broadcast_in_dim3A_341 = vector.shape_cast %reduce_sum3A_340 : vector<4096xf32> to vector<1x4096xf32>
    %eq3A_342 = arith.constant 0.000000e+00 : f32
    %eq3A_343 = vector.broadcast %eq3A_342 : f32 to vector<1x4096xf32>
    %eq3A_344 = arith.cmpf oeq, %broadcast_in_dim3A_341, %eq3A_343 : vector<1x4096xf32>
    %squeeze3A_345 = vector.shape_cast %eq3A_344 : vector<1x4096xi1> to vector<4096xi1>
    %swap3A_346 = arith.constant 6 : index
    %swap3A_347 = arith.constant 0 : index
    %swap3A_348 = vector.load %arg7[%swap3A_346, %swap3A_347] : memref<8x4096xi32, #tpu.memory_space<vmem>>, vector<1x4096xi32>
    %swap3A_349 = arith.extui %squeeze3A_345 : vector<4096xi1> to vector<4096xi32>
    %swap3A_350 = vector.shape_cast %swap3A_348 : vector<1x4096xi32> to vector<4096xi32>
    %swap3A_351 = vector.shape_cast %swap3A_349 : vector<4096xi32> to vector<1x4096xi32>
    %swap3A_352 = arith.constant dense<0> : vector<4096xi32>
    %swap3A_353 = arith.cmpi ne, %swap3A_350, %swap3A_352 : vector<4096xi32>
    tpu.vector_store %arg7[%swap3A_346, %swap3A_347], %swap3A_351 {strides = array<i32>} : memref<8x4096xi32, #tpu.memory_space<vmem>>, vector<1x4096xi32>,
    %dot_general3A_354 = arith.constant dense<0.000000e+00> : vector<64x4096xf32>
    %dot_general3A_355 = tpu.matmul %get3A_1, %get3A_333, %dot_general3A_354 {dimension_numbers = #tpu.dot_dimension_numbers<[1], [0], [0], [1], [0, 0, 1, 1], [], []>, transpose_lhs_hint = false} : vector<64x10xf32>, vector<10x4096xf32>, vector<64x4096xf32> -> vector<64x4096xf32>
    %add3A_356 = vector.broadcast %get3A_7 : vector<64x1xf32> to vector<64x4096xf32>
    %add3A_357 = arith.addf %dot_general3A_355, %add3A_356 : vector<64x4096xf32>
    %mul3A_358 = arith.constant 5.000000e-01 : f32
    %mul3A_359 = vector.broadcast %mul3A_358 : f32 to vector<64x4096xf32>
    %mul3A_360 = arith.mulf %mul3A_359, %add3A_357 : vector<64x4096xf32>
    %mul3A_361 = arith.constant 0.707106769 : f32
    %mul3A_362 = vector.broadcast %mul3A_361 : f32 to vector<64x4096xf32>
    %mul3A_363 = arith.mulf %add3A_357, %mul3A_362 : vector<64x4096xf32>
    %erf3A_364 = math.erf %mul3A_363 : vector<64x4096xf32>
    %add3A_365 = arith.constant 1.000000e+00 : f32
    %add3A_366 = vector.broadcast %add3A_365 : f32 to vector<64x4096xf32>
    %add3A_367 = arith.addf %add3A_366, %erf3A_364 : vector<64x4096xf32>
    %mul3A_368 = arith.mulf %mul3A_360, %add3A_367 : vector<64x4096xf32>
    %dot_general3A_369 = arith.constant dense<0.000000e+00> : vector<64x4096xf32>
    %dot_general3A_370 = tpu.matmul %get3A_4, %mul3A_368, %dot_general3A_369 {dimension_numbers = #tpu.dot_dimension_numbers<[1], [0], [0], [1], [0, 0, 1, 1], [], []>, transpose_lhs_hint = false} : vector<64x64xf32>, vector<64x4096xf32>, vector<64x4096xf32> -> vector<64x4096xf32>
    %add3A_371 = vector.broadcast %get3A_10 : vector<64x1xf32> to vector<64x4096xf32>
    %add3A_372 = arith.addf %dot_general3A_370, %add3A_371 : vector<64x4096xf32>
    %min3A_373 = arith.constant 1.000000e+00 : f32
    %min3A_374 = vector.broadcast %min3A_373 : f32 to vector<1x4096xf32>
    %min3A_375 = arith.minimumf %broadcast_in_dim3A_341, %min3A_374 : vector<1x4096xf32>
    %mul3A_376 = vector.broadcast %min3A_375 : vector<1x4096xf32> to vector<64x4096xf32>
    %mul3A_377 = arith.mulf %add3A_372, %mul3A_376 : vector<64x4096xf32>
    %swap3A_378 = arith.constant 6 : index
    %swap3A_379 = arith.constant 0 : index
    %swap3A_380 = arith.constant 0 : index
    %swap3A_381 = vector.load %arg6[%swap3A_378, %swap3A_379, %swap3A_380] : memref<8x64x4096xf32, #tpu.memory_space<vmem>>, vector<1x64x4096xf32>
    %swap3A_382 = vector.shape_cast %swap3A_381 : vector<1x64x4096xf32> to vector<64x4096xf32>
    %swap3A_383 = vector.shape_cast %mul3A_377 : vector<64x4096xf32> to vector<1x64x4096xf32>
    tpu.vector_store %arg6[%swap3A_378, %swap3A_379, %swap3A_380], %swap3A_383 {strides = array<i32>} : memref<8x64x4096xf32, #tpu.memory_space<vmem>>, vector<1x64x4096xf32>,
    %get3A_384 = arith.constant 0 : index
    %get3A_385 = arith.constant 7 : index
    %get3A_386 = arith.constant 0 : index
    %get3A_387 = vector.load %arg1[%get3A_384, %get3A_385, %get3A_386] : memref<10x8x4096xf32, #tpu.memory_space<vmem>>, vector<10x1x4096xf32>
    %get3A_388 = vector.shape_cast %get3A_387 : vector<10x1x4096xf32> to vector<10x4096xf32>
    %ne3A_389 = arith.constant 0.000000e+00 : f32
    %ne3A_390 = vector.broadcast %ne3A_389 : f32 to vector<10x4096xf32>
    %ne3A_391 = arith.cmpf one, %get3A_388, %ne3A_390 : vector<10x4096xf32>
    %convert_element_type3A_392 = arith.extui %ne3A_391 : vector<10x4096xi1> to vector<10x4096xi32>
    %convert_element_type3A_393 = arith.sitofp %convert_element_type3A_392 : vector<10x4096xi32> to vector<10x4096xf32>
    %reduce_sum3A_394 = arith.constant dense<0.000000e+00> : vector<4096xf32>
    %reduce_sum3A_395 = vector.multi_reduction <add>, %convert_element_type3A_393, %reduce_sum3A_394 [0] : vector<10x4096xf32> to vector<4096xf32>
    %broadcast_in_dim3A_396 = vector.shape_cast %reduce_sum3A_395 : vector<4096xf32> to vector<1x4096xf32>
    %eq3A_397 = arith.constant 0.000000e+00 : f32
    %eq3A_398 = vector.broadcast %eq3A_397 : f32 to vector<1x4096xf32>
    %eq3A_399 = arith.cmpf oeq, %broadcast_in_dim3A_396, %eq3A_398 : vector<1x4096xf32>
    %squeeze3A_400 = vector.shape_cast %eq3A_399 : vector<1x4096xi1> to vector<4096xi1>
    %swap3A_401 = arith.constant 7 : index
    %swap3A_402 = arith.constant 0 : index
    %swap3A_403 = vector.load %arg7[%swap3A_401, %swap3A_402] : memref<8x4096xi32, #tpu.memory_space<vmem>>, vector<1x4096xi32>
    %swap3A_404 = arith.extui %squeeze3A_400 : vector<4096xi1> to vector<4096xi32>
    %swap3A_405 = vector.shape_cast %swap3A_403 : vector<1x4096xi32> to vector<4096xi32>
    %swap3A_406 = vector.shape_cast %swap3A_404 : vector<4096xi32> to vector<1x4096xi32>
    %swap3A_407 = arith.constant dense<0> : vector<4096xi32>
    %swap3A_408 = arith.cmpi ne, %swap3A_405, %swap3A_407 : vector<4096xi32>
    tpu.vector_store %arg7[%swap3A_401, %swap3A_402], %swap3A_406 {strides = array<i32>} : memref<8x4096xi32, #tpu.memory_space<vmem>>, vector<1x4096xi32>,
    %dot_general3A_409 = arith.constant dense<0.000000e+00> : vector<64x4096xf32>
    %dot_general3A_410 = tpu.matmul %get3A_1, %get3A_388, %dot_general3A_409 {dimension_numbers = #tpu.dot_dimension_numbers<[1], [0], [0], [1], [0, 0, 1, 1], [], []>, transpose_lhs_hint = false} : vector<64x10xf32>, vector<10x4096xf32>, vector<64x4096xf32> -> vector<64x4096xf32>
    %add3A_411 = vector.broadcast %get3A_7 : vector<64x1xf32> to vector<64x4096xf32>
    %add3A_412 = arith.addf %dot_general3A_410, %add3A_411 : vector<64x4096xf32>
    %mul3A_413 = arith.constant 5.000000e-01 : f32
    %mul3A_414 = vector.broadcast %mul3A_413 : f32 to vector<64x4096xf32>
    %mul3A_415 = arith.mulf %mul3A_414, %add3A_412 : vector<64x4096xf32>
    %mul3A_416 = arith.constant 0.707106769 : f32
    %mul3A_417 = vector.broadcast %mul3A_416 : f32 to vector<64x4096xf32>
    %mul3A_418 = arith.mulf %add3A_412, %mul3A_417 : vector<64x4096xf32>
    %erf3A_419 = math.erf %mul3A_418 : vector<64x4096xf32>
    %add3A_420 = arith.constant 1.000000e+00 : f32
    %add3A_421 = vector.broadcast %add3A_420 : f32 to vector<64x4096xf32>
    %add3A_422 = arith.addf %add3A_421, %erf3A_419 : vector<64x4096xf32>
    %mul3A_423 = arith.mulf %mul3A_415, %add3A_422 : vector<64x4096xf32>
    %dot_general3A_424 = arith.constant dense<0.000000e+00> : vector<64x4096xf32>
    %dot_general3A_425 = tpu.matmul %get3A_4, %mul3A_423, %dot_general3A_424 {dimension_numbers = #tpu.dot_dimension_numbers<[1], [0], [0], [1], [0, 0, 1, 1], [], []>, transpose_lhs_hint = false} : vector<64x64xf32>, vector<64x4096xf32>, vector<64x4096xf32> -> vector<64x4096xf32>
    %add3A_426 = vector.broadcast %get3A_10 : vector<64x1xf32> to vector<64x4096xf32>
    %add3A_427 = arith.addf %dot_general3A_425, %add3A_426 : vector<64x4096xf32>
    %min3A_428 = arith.constant 1.000000e+00 : f32
    %min3A_429 = vector.broadcast %min3A_428 : f32 to vector<1x4096xf32>
    %min3A_430 = arith.minimumf %broadcast_in_dim3A_396, %min3A_429 : vector<1x4096xf32>
    %mul3A_431 = vector.broadcast %min3A_430 : vector<1x4096xf32> to vector<64x4096xf32>
    %mul3A_432 = arith.mulf %add3A_427, %mul3A_431 : vector<64x4096xf32>
    %swap3A_433 = arith.constant 7 : index
    %swap3A_434 = arith.constant 0 : index
    %swap3A_435 = arith.constant 0 : index
    %swap3A_436 = vector.load %arg6[%swap3A_433, %swap3A_434, %swap3A_435] : memref<8x64x4096xf32, #tpu.memory_space<vmem>>, vector<1x64x4096xf32>
    %swap3A_437 = vector.shape_cast %swap3A_436 : vector<1x64x4096xf32> to vector<64x4096xf32>
    %swap3A_438 = vector.shape_cast %mul3A_432 : vector<64x4096xf32> to vector<1x64x4096xf32>
    tpu.vector_store %arg6[%swap3A_433, %swap3A_434, %swap3A_435], %swap3A_438 {strides = array<i32>} : memref<8x64x4096xf32, #tpu.memory_space<vmem>>, vector<1x64x4096xf32>,
    return
  }
  func.func @transform_0(%arg0: i32) -> (i32, i32, i32) {
    %c0_i32 = arith.constant 0 : i32
    %c0_i32_0 = arith.constant 0 : i32
    %c0_i32_1 = arith.constant 0 : i32
    return %c0_i32, %arg0, %c0_i32_0 : i32, i32, i32
  }
  func.func @transform_1(%arg0: i32) -> (i32, i32) {
    %c0_i32 = arith.constant 0 : i32
    %c0_i32_0 = arith.constant 0 : i32
    %c0_i32_1 = arith.constant 0 : i32
    return %c0_i32, %c0_i32_0 : i32, i32
  }
  func.func @transform_2(%arg0: i32) -> (i32, i32) {
    %c0_i32 = arith.constant 0 : i32
    %c0_i32_0 = arith.constant 0 : i32
    %c0_i32_1 = arith.constant 0 : i32
    return %c0_i32, %c0_i32_0 : i32, i32
  }
  func.func @transform_3(%arg0: i32) -> (i32, i32) {
    %c0_i32 = arith.constant 0 : i32
    %c0_i32_0 = arith.constant 0 : i32
    %c0_i32_1 = arith.constant 0 : i32
    return %c0_i32, %c0_i32_0 : i32, i32
  }
  func.func @transform_4(%arg0: i32) -> (i32, i32) {
    %c0_i32 = arith.constant 0 : i32
    %c0_i32_0 = arith.constant 0 : i32
    %c0_i32_1 = arith.constant 0 : i32
    return %c0_i32, %c0_i32_0 : i32, i32
  }
  func.func @transform_5(%arg0: i32) -> (i32, i32, i32) {
    %c0_i32 = arith.constant 0 : i32
    %c0_i32_0 = arith.constant 0 : i32
    %c0_i32_1 = arith.constant 0 : i32
    return %arg0, %c0_i32, %c0_i32_0 : i32, i32, i32
  }
  func.func @transform_6(%arg0: i32) -> (i32, i32) {
    %c0_i32 = arith.constant 0 : i32
    %c0_i32_0 = arith.constant 0 : i32
    return %arg0, %c0_i32 : i32, i32
  }
}

</mosaic_0001>

<sc_bundles>
// kernel: kernel.4.cloned.1.call-start
scs
__scs_entry_jumppad:
0x0: {  	(pc) =	sbr.rel $0x88, $3  }
0x1: {  	(tag) =	ssettag $0x0;
	lr =	simm.s32 $0x1  }
0x2: {  	[smem:$0x3F9C] =	sst lr;
	_ =	strace $0xD0000000  }
0x3: {  	_ = 	snop  }
0x4: {  	_ = 	snop  }
0x5: {  	_ = 	snop  }
0x6: {  	_ = 	snop  }
0x7: {  	_ = 	snop  }
__scs_overlays_trampoline_lowered:
0x8: {  	[smem:$0x3FAB] =	sst s0  }
0x9: {  	[smem:$0x3FAC] =	sst s1  }
0xa: {  	[smem:$0x3FAD] =	sst s2  }
0xb: {  	[smem:$0x3FAE] =	sst s3  }
0xc: {  	[smem:$0x3FAF] =	sst s4  }
0xd: {  	[smem:$0x3FB0] =	sst s5  }
0xe: {  	[smem:$0x3FB1] =	sst s6  }
0xf: {  	[smem:$0x3FB2] =	sst s7  }
0x10: {  	[smem:$0x3FB3] =	sst s8  }
0x11: {  	[smem:$0x3FB4] =	sst s9;
	s0 =	simm.s32 @!p0 $0x0  }
0x12: {  	s1 =	sld [smem:$0x3F9A];
	s0 =	simm.s32 @p0 $0x1  }
0x13: {  	[smem:$0x3FB5] =	sst s0;
	s0 =	simm.s32 @!p1 $0x0  }
0x14: {  	s2 =	sld [smem:$0x3F99];
	s0 =	simm.s32 @p1 $0x1  }
0x15: {  	[smem:$0x3FB6] =	sst s0;
	s0 =	simm.s32 @!p2 $0x0  }
0x16: {  	s3 =	sld [smem:$0x3FDB];
	s0 =	simm.s32 @p2 $0x1  }
0x17: {  	s4 =	simm.s32 $0x1BF5;
	[smem:$0x3FB8] =	sst s0  }
0x18: {  	s0 =	sld [smem:$0x3F9B];
	_ =	swait.ge [sflag:s4], $0x0  }
0x19: {  	s7 =	sld [smem:$0x3F9C]  }
0x1a: {  	s8 =	sadd.s32 $0xFFFFE003, lr  }
0x1b: {  	s9 =	sadd.s32 $0xFFFFFEF7, lr;
	s5 =	simm.s32 $0xFFFFFFFF;
	p2 =	slt.u32 s8, $0xFFFFF086  }
0x1c: {  	p1 =	slt.u32 s9, $0xF7A;
	s5 =	simm.s32 @!p2 $0x0  }
0x1d: {  	s5 =	simm.s32 @p1 $0x1;
	p0 =	seq.s32 s7, s2  }
0x1e: {  	s7 =	smul.u32 @!p0 $0xF7A, s2;
	p2 =	seq.s32 @!p0 s5, $0x0  }
0x1f: {  	s9 =	smul.u32 $0xF7A, s1;
	s8 =	simm.s32 @!p0 $0x1BF5;
	p2 =	por !p2, p0  }
0x20: {  	[sflag:s8] =	ssyncset.s32 @!p0 $0xFFFFF086;
	s6 =	sadd.s32 @!p0 s3, s7;
	s7 =	simm.s32 @!p0 $0x108  }
0x21: {  	s3 =	sadd.s32 s3, s9;
	s6 =	sadd.s32 @!p0 $0x88, s6;
	s7 =	simm.s32 @p2 $0x1082  }
0x22: {  	[simem:s7], [sflag:s8] =	dma.local @!p0 [hbm:s6], $0xF7A  }
0x23: {  	s9 =	sor.u32 $0xD0000000, s2;
	s6 =	simm.s32 $0x108;
	_ =	swait.ge @!p0 [sflag:s8], $0x0  }
0x24: {  	s3 =	sadd.s32 $0x88, s3;
	s6 =	simm.s32 @!p1 $0x1082;
	[sflag:s4] =	ssyncset.s32 $0xFFFFF086  }
0x25: {  	[simem:s6], [sflag:s4] =	dma.local [hbm:s3], $0xF7A  }
0x26: {  	[smem:$0x3F9C] =	sst s1;
	(tag) =	ssettag s2;
	_ =	strace s9  }
0x27: {  	s1 =	sld [smem:$0x3FAC]  }
0x28: {  	s2 =	sld [smem:$0x3FAD]  }
0x29: {  	s4 =	sld [smem:$0x3FAF]  }
0x2a: {  	p0 =	seq.s32 s5, $0x0;
	s5 =	sld [smem:$0x3FB0]  }
0x2b: {  	s6 =	sld [smem:$0x3FB1]  }
0x2c: {  	s7 =	sld [smem:$0x3FB2]  }
0x2d: {  	s3 =	simm.s32 $0x108;
	s8 =	sld [smem:$0x3FB3]  }
0x2e: {  	s3 =	simm.s32 @!p0 $0x1082;
	s9 =	sld [smem:$0x3FB4]  }
0x2f: {  	lr =	sadd.s32 s0, s3;
	s0 =	sld [smem:$0x3FAB]  }
0x30: {  	s3 =	sld [smem:$0x3FAE]  }
0x31: {  	[smem:$0x3FB7] =	sst s10  }
0x32: {  	s10 =	sld [smem:$0x3FB5];
	_ =	sdelay $0x3  }
0x33: {  	p0 =	seq.s32 s10, $0x1;
	s10 =	sld [smem:$0x3FB7];
	_ =	sdelay $0x3  }
0x34: {  	[smem:$0x3FB7] =	sst s10  }
0x35: {  	s10 =	sld [smem:$0x3FB6];
	_ =	sdelay $0x3  }
0x36: {  	p1 =	seq.s32 s10, $0x1;
	s10 =	sld [smem:$0x3FB7];
	_ =	sdelay $0x3  }
0x37: {  	[smem:$0x3FB7] =	sst s10  }
0x38: {  	s10 =	sld [smem:$0x3FB8]  }
0x39: {  	_ = 	snop;
	(pc) =	sbr.ind lr, $3  }
0x3a: {  	_ = 	snop  }
0x3b: {  	_ = 	snop  }
0x3c: {  	p2 =	seq.s32 s10, $0x1;
	s10 =	sld [smem:$0x3FB7]  }
0x3d: {  	_ =	shalt  }
0x3e: {  	_ =	shalt  }
0x3f: {  	_ =	shalt  }
0x40: {  	_ =	shalt  }
0x41: {  	_ =	shalt  }
0x42: {  	_ =	shalt  }
0x43: {  	_ =	shalt  }
0x44: {  	_ =	shalt  }
0x45: {  	_ =	shalt  }
0x46: {  	_ =	shalt  }
0x47: {  	_ =	shalt  }
0x48: {  	_ =	shalt  }
0x49: {  	_ =	shalt  }
0x4a: {  	_ =	shalt  }
0x4b: {  	_ =	shalt  }
0x4c: {  	_ =	shalt  }
0x4d: {  	_ =	shalt  }
0x4e: {  	_ =	shalt  }
0x4f: {  	_ =	shalt  }
0x50: {  	_ =	shalt  }
0x51: {  	_ =	shalt  }
0x52: {  	_ =	shalt  }
0x53: {  	_ =	shalt  }
0x54: {  	_ =	shalt  }
0x55: {  	_ =	shalt  }
0x56: {  	_ =	shalt  }
0x57: {  	_ =	shalt  }
0x58: {  	_ =	shalt  }
0x59: {  	_ =	shalt  }
0x5a: {  	_ =	shalt  }
0x5b: {  	_ =	shalt  }
0x5c: {  	_ =	shalt  }
0x5d: {  	_ =	shalt  }
0x5e: {  	_ =	shalt  }
0x5f: {  	_ =	shalt  }
0x60: {  	_ =	shalt  }
0x61: {  	_ =	shalt  }
0x62: {  	_ =	shalt  }
0x63: {  	_ =	shalt  }
0x64: {  	_ =	shalt  }
0x65: {  	_ =	shalt  }
0x66: {  	_ =	shalt  }
0x67: {  	_ =	shalt  }
0x68: {  	_ =	shalt  }
0x69: {  	_ =	shalt  }
0x6a: {  	_ =	shalt  }
0x6b: {  	_ =	shalt  }
0x6c: {  	_ =	shalt  }
0x6d: {  	_ =	shalt  }
0x6e: {  	_ =	shalt  }
0x6f: {  	_ =	shalt  }
0x70: {  	_ =	shalt  }
0x71: {  	_ =	shalt  }
0x72: {  	_ =	shalt  }
0x73: {  	_ =	shalt  }
0x74: {  	_ =	shalt  }
0x75: {  	_ =	shalt  }
0x76: {  	_ =	shalt  }
0x77: {  	_ =	shalt  }
0x78: {  	_ =	shalt  }
0x79: {  	_ =	shalt  }
0x7a: {  	_ =	shalt  }
0x7b: {  	_ =	shalt  }
0x7c: {  	_ =	shalt  }
0x7d: {  	_ =	shalt  }
0x7e: {  	_ =	shalt  }
0x7f: {  	_ =	shalt  }
0x80: {  	_ =	shalt  }
0x81: {  	_ =	shalt  }
0x82: {  	_ =	shalt  }
0x83: {  	_ =	shalt  }
0x84: {  	_ =	shalt  }
0x85: {  	_ =	shalt  }
0x86: {  	_ =	shalt  }
0x87: {  	_ =	shalt  }
.Lfunc_end0:
.L_simem_size_0:
called_computation_lowered:
.L_overlay_start_0:
0x88: {  	s2 =	sld [smem:$0x3FD9]  }
0x89: {  	s3 =	sld [smem:$0x3FFE];
	_ =	sdelay $0x1  }
0x8a: {  	s1 =	srdreg.scid  }
0x8b: {  	s0 =	sand.u32 $0x1, s1  }
0x8c: {  	s15 =	sshll.u32 s0, $0xA;
	s2 =	sadd.s32 s3, s2  }
0x8d: {  	s2 =	sadd.s32 s2, s15  }
0x8e: {  	[smem:$0x3FC3] =	sst s2  }
0x8f: {  	_ = 	snop  }
0x90: {  	s2 =	sld [smem:$0x3FD0];
	_ =	sdelay $0x2  }
0x91: {  	s4 =	simm.s32 $0xA;
	s5 =	simm.s32 $0x10;
	s16 =	sld [smem:$0x3FC9]  }
0x92: {  	[smem:s5], [sflag:s4] =	dma.local [hbm:s2], $0x1  }
0x93: {  	_ =	swait.eq [sflag:s4], $0x1  }
0x94: {  	[sflag:s4] =	ssyncset.done $0x0  }
0x95: {  	[sflag:s4] =	ssyncadd.s32 $0xFFFFFFFF  }
0x96: {  	s17 =	sld [smem:$0x12];
	(tm) =	ssettm $0x1  }
0x97: {  	s18 =	sld [smem:$0x3FFB];
	_ =	sdelay $0x3  }
0x98: {  	_ =	strace s18  }
0x99: {  	s4 =	sld [smem:$0x3FFC];
	_ =	sdelay $0x3  }
0x9a: {  	_ =	strace s4  }
0x9b: {  	s4 =	sld [smem:$0x3FFD];
	_ =	sdelay $0x3  }
0x9c: {  	_ =	strace s4  }
0x9d: {  	_ =	strace $0x8FFFFFFF  }
0x9e: {  	s19 =	sld [smem:$0x3FDB];
	_ =	sdelay $0x1  }
0x9f: {  	s20 =	simm.s32 $_scs_section_size  }
0xa0: {  	s6 =	simm.s32 $_size__tile_overlayer_lowered;
	s7 =	simm.s32 $_tile_overlayer_lowered  }
0xa1: {  	s23 =	simm.s32 $0x1BFF;
	s22 =	sshll.u32 s7, $0x1;
	s4 =	sadd.s32 s20, s19  }
0xa2: {  	s8 =	simm.s32 $0x0;
	s21 =	sshll.u32 s6, $0x1;
	s6 =	sadd.s32 s22, s4  }
0xa3: {  	[timem:s8], [sflag:s23] =	dma.local [hbm:s6], s21  }
0xa4: {  	_ =	swait.ge [sflag:s23], s21  }
0xa5: {  	s5 =	ssub.s32 $0x0, s21;
	[sflag:s23] =	ssyncset.done $0x0  }
0xa6: {  	[sflag:s23] =	ssyncadd.s32 s5;
	_ =	sdelay $0x1  }
0xa7: {  	s24 =	simm.s32 $0x1B8B  }
0xa8: {  	_ =	swait.ge [sflag:s24], $0x1  }
0xa9: {  	[sflag:s24] =	ssyncset.done $0x0  }
0xaa: {  	s25 =	simm.s32 $0x1B8E;
	[sflag:s24] =	ssyncadd.s32 $0xFFFFFFFF  }
0xab: {  	s26 =	simm.s32 $execute0_lowered;
	[smem:$0x3FD2] =	sst s25  }
0xac: {  	s5 =	sshll.u32 s26, $0x1;
	_ =	strace $0x80000046;
	[dreg:$0x1] =	wrdreg $0xFFFFFFFF  }
0xad: {  	s28 =	simm.s32 $_size_execute0_lowered;
	s4 =	sadd.s32 s4, s5;
	[dreg:$0x0] =	wrdreg $0x0  }
0xae: {  	s5 =	sshll.u32 s28, $0x1;
	[dreg:$0x2] =	wrdreg s4  }
0xaf: {  	[dreg:$0x3] =	wrdreg s5  }
0xb0: {  	[dreg:$0x4] =	wrdreg $0xC0  }
0xb1: {  	_ =	task [dreg:s8], $0x5FFFF  }
0xb2: {  	[dreg:$0x1] =	wrdreg $0xFFFFFFFF  }
0xb3: {  	[dreg:$0x0] =	wrdreg $0x60  }
0xb4: {  	[dreg:$0x2] =	wrdreg s16  }
0xb5: {  	[dreg:$0x3] =	wrdreg s17  }
0xb6: {  	[dreg:$0x4] =	wrdreg $0x9  }
0xb7: {  	_ =	task.clear_ibuf [dreg:s8], $0x5FFFF;
	_ =	strace $0x90000046  }
0xb8: {  	s29 =	simm.s32 $0x9;
	_ =	strace $0x80000048  }
0xb9: {  	_ =	swait.ge [sflag:s29], $0x1  }
0xba: {  	[sflag:s29] =	ssyncadd.s32 $0xFFFFFFFF  }
0xbb: {  	_ =	strace $0x90000048  }
0xbc: {  	_ =	sfence  }
0xbd: {  	s30 =	sld [smem:$0x0];
	_ =	sdelay $0x2  }
0xbe: {  	s31 =	sshll.u32 s1, $0xD;
	s1 =	sshrl.u32 s1, $0x2  }
0xbf: {  	s3 =	sand.u32 $0x4000, s31;
	s1 =	sadd.s32 s1, s30  }
0xc0: {  	s0 =	sor.u32 s3, s0;
	s1 =	sshll.u32 s1, $0x11  }
0xc1: {  	s0 =	sor.u32 s1, s0  }
0xc2: {  	s0 =	sadd.s32 $0x8F2B, s0  }
0xc3: {  	[sflag:s0] =	ssyncadd.remote.s32 $0x1  }
0xc4: {  	_ =	sfence.sel $0xFFFF  }
0xc5: {  	[dreg:$0x0] =	wrdreg $0xFFFFFFFF;
	(pc) =	sbr.abs _section_cstart, $3  }
0xc6: {  	[dreg:$0x1] =	wrdreg $0xFFFFFFFF  }
0xc7: {  	_ =	task.clear_ibuf [dreg:s8], $0x2FFFF;
	_ =	strace $0x9FFFFFFF  }
0xc8: {  	(tm) =	ssettm $0x7FFFFFFF  }
0xc9: {  	_ =	shalt  }
tec
execute0_lowered:
.L_overlay_start_1:
0x0: {  	(tag) =	ssettag $0x1  }
0x1: {  	s1 =	srdreg.scid  }
0x2: {  	s0 =	stileid.u32;
	s3 =	sand.u32 $0x1, s1  }
0x3: {  	s1 =	sor.u32 s3, s0  }
0x4: {  	s12 =	rddreg [dreg:$0x0];
	p1 =	seq.s32 s3, $0x1;
	p0 =	seq.s32 s1, $0x0  }
0x5: {  	s19 =	rddreg [dreg:$0x1];
	s2 =	simm.s32 $0x0;
	p0 =	por !p0, !p1  }
0x6: {  	s4 =	simm.s32 $0x1;
	[smem:$0x7FF] =	sst s2;
	p0 =	por !p0, !p0  }
0x7: {  	s7 =	sshll.u32 s0, $0x6;
	s5 =	ssub.s32 $0x2, s3;
	s4 =	simm.s32 @!p0 $0x0  }
0x8: {  	s3 =	sshll.u32 s3, $0xE;
	s1 =	rddreg [dreg:$0x2];
	s4 =	ssub.s32 s0, s4  }
0x9: {  	_ =	strace $0x80000047;
	s6 =	sshrl.u32 s5, $0x1;
	s4 =	sshll.u32 s4, $0xF  }
0xa: {  	s20 =	ssub.s32 s5, s6;
	s6 =	sor.u32 $0x1C01, s7;
	s17 =	sor.u32 s3, s4  }
0xb: {  	s20 =	smax.u32 s20, $0x1;
	s3 =	simm.s32 $0x1;
	s26 =	sshrl.u32 s17, $0x3  }
0xc: {  	s28 =	sadd.s32 $0x80000, s17;
	s9 =	sadd.s32 $0x100000, s17;
	s11 =	sadd.s32 $0x180000, s17  }
0xd: {  	s14 =	sadd.s32 $0x200000, s17;
	s30 =	sadd.s32 $0x280000, s17;
	s15 =	sadd.s32 $0x380000, s17  }
0xe: {  	s16 =	sadd.s32 $0x400000, s17;
	s18 =	sadd.s32 $0x480000, s17;
	s21 =	sadd.s32 $0x500000, s17  }
0xf: {  	s22 =	sadd.s32 $0x300000, s17;
	s4 =	sadd.s32 s19, s26;
	s5 =	sadd.s32 s12, s26  }
0x10: {  	s8 =	sshrl.u32 s28, $0x3;
	s10 =	sshrl.u32 s9, $0x3;
	s13 =	sshrl.u32 s11, $0x3  }
0x11: {  	s29 =	sshrl.u32 s14, $0x3;
	s14 =	sshrl.u32 s30, $0x3;
	s15 =	sshrl.u32 s15, $0x3  }
0x12: {  	s16 =	sshrl.u32 s16, $0x3;
	s18 =	sshrl.u32 s18, $0x3;
	s21 =	sshrl.u32 s21, $0x3  }
0x13: {  	s31 =	sshrl.u32 s22, $0x3;
	s7 =	sadd.s32 s19, s8;
	s8 =	sadd.s32 s12, s8  }
0x14: {  	s9 =	sadd.s32 s19, s10;
	s10 =	sadd.s32 s12, s10;
	s11 =	sadd.s32 s19, s13  }
0x15: {  	s12 =	sadd.s32 s12, s13;
	s13 =	sadd.s32 s19, s29;
	s14 =	sadd.s32 s19, s14  }
0x16: {  	s15 =	sadd.s32 s19, s15;
	s16 =	sadd.s32 s19, s16;
	s17 =	sadd.s32 s19, s18  }
0x17: {  	v0 =	vimm.f32 $0.0e+00;
	v1 =	vimm.f32 $1.000000000e+00;
	s18 =	sadd.s32 s19, s21;
	s19 =	sadd.s32 s19, s31;
	s21 =	simm.s32 $0x0  }
.LBB2_1:
0x18: {  	[hbm:s4], [sflag:s6] =	dma.local [hbm:s5], $0x800  }
0x19: {  	_ =	swait.ge [sflag:s3], $0x800  }
0x1a: {  	[sflag:s3] =	ssyncset.done $0x0  }
0x1b: {  	[sflag:s3] =	ssyncadd.s32 $0xFFFFF800  }
0x1c: {  	[hbm:s7], [sflag:s6] =	dma.local [hbm:s8], $0x800  }
0x1d: {  	_ =	swait.ge [sflag:s3], $0x800  }
0x1e: {  	[sflag:s3] =	ssyncset.done $0x0  }
0x1f: {  	[sflag:s3] =	ssyncadd.s32 $0xFFFFF800  }
0x20: {  	[hbm:s9], [sflag:s6] =	dma.local [hbm:s10], $0x800  }
0x21: {  	_ =	swait.ge [sflag:s3], $0x800  }
0x22: {  	[sflag:s3] =	ssyncset.done $0x0  }
0x23: {  	[sflag:s3] =	ssyncadd.s32 $0xFFFFF800  }
0x24: {  	[hbm:s11], [sflag:s6] =	dma.local [hbm:s12], $0x800  }
0x25: {  	s22 =	sand.u32 $0x380, s2;
	s23 =	sand.u32 $0x3C00, s2;
	_ =	swait.ge [sflag:s3], $0x800  }
0x26: {  	s24 =	sand.u32 $0x70, s2;
	s22 =	sor.u32 s22, s23;
	[sflag:s3] =	ssyncset.done $0x0  }
0x27: {  	s23 =	sor.u32 s24, s22;
	[sflag:s3] =	ssyncadd.s32 $0xFFFFF800  }
0x28: {  	s22 =	simm.s32 $0x1;
	s24 =	simm.s32 $0x0;
	[tilespmem:s23+$0x0] =	vst v0;
	s23 =	simm.s32 $0x0  }
.LBB2_2:
0x29: {  	s25 =	sand.u32 $0x380, s22;
	p0 =	sne.s32 s22, $0x3FF  }
.Ltmp0:
0x2a: {  	s23 =	sadd.s32 $0x10, s23;
	s24 =	sadd.s32 $0x80, s24;
	(pc) =	sbr.rel @p0 .LBB2_2-.Ltmp0, $4  }
0x2b: {  	s22 =	sadd.s32 $0x1, s22;
	s26 =	sand.u32 $0x3C00, s24  }
0x2c: {  	s28 =	sand.u32 $0x70, s23;
	s25 =	sor.u32 s25, s26  }
0x2d: {  	s25 =	sor.u32 s28, s25  }
0x2e: {  	[tilespmem:s25+$0x0] =	vst v0  }
0x2f: {  	s22 =	simm.s32 $0x0  }
0x30: {  	[hbm4b:s13+s22] =	stream.linear.scatter [tilespmem:s22], [sflag:$0x1], $0x4000, $0x38;
	[tilespmem:$0x4000] =	vst v63  }
0x31: {  	_ =	swait.ge [sflag:s3], $0x4000  }
0x32: {  	[sflag:s3] =	ssyncset.done $0x0  }
0x33: {  	[sflag:s3] =	ssyncadd.s32 $0xFFFFC000  }
0x34: {  	[hbm4b:s14+s22] =	stream.linear.scatter [tilespmem:s22], [sflag:$0x1], $0x4000, $0x38;
	[tilespmem:$0x4000] =	vst v63  }
0x35: {  	_ =	swait.ge [sflag:s3], $0x4000  }
0x36: {  	[sflag:s3] =	ssyncset.done $0x0  }
0x37: {  	[sflag:s3] =	ssyncadd.s32 $0xFFFFC000  }
0x38: {  	[hbm4b:s15+s22] =	stream.linear.scatter [tilespmem:s22], [sflag:$0x1], $0x4000, $0x38;
	[tilespmem:$0x4000] =	vst v63  }
0x39: {  	_ =	swait.ge [sflag:s3], $0x4000  }
0x3a: {  	[sflag:s3] =	ssyncset.done $0x0  }
0x3b: {  	[sflag:s3] =	ssyncadd.s32 $0xFFFFC000  }
0x3c: {  	[hbm4b:s16+s22] =	stream.linear.scatter [tilespmem:s22], [sflag:$0x1], $0x4000, $0x38;
	[tilespmem:$0x4000] =	vst v63  }
0x3d: {  	_ =	swait.ge [sflag:s3], $0x4000  }
0x3e: {  	[sflag:s3] =	ssyncset.done $0x0  }
0x3f: {  	[sflag:s3] =	ssyncadd.s32 $0xFFFFC000  }
0x40: {  	[hbm4b:s17+s22] =	stream.linear.scatter [tilespmem:s22], [sflag:$0x1], $0x4000, $0x38;
	[tilespmem:$0x4000] =	vst v63  }
0x41: {  	_ =	swait.ge [sflag:s3], $0x4000  }
0x42: {  	[sflag:s3] =	ssyncset.done $0x0  }
0x43: {  	[sflag:s3] =	ssyncadd.s32 $0xFFFFC000  }
0x44: {  	[hbm4b:s18+s22] =	stream.linear.scatter [tilespmem:s22], [sflag:$0x1], $0x4000, $0x38;
	[tilespmem:$0x4000] =	vst v63  }
0x45: {  	s23 =	sand.u32 $0x380, s22;
	s24 =	sand.u32 $0x3C00, s22;
	_ =	swait.ge [sflag:s3], $0x4000  }
0x46: {  	s25 =	sand.u32 $0x70, s22;
	s23 =	sor.u32 s23, s24;
	[sflag:s3] =	ssyncset.done $0x0  }
0x47: {  	s24 =	sor.u32 s25, s23;
	[sflag:s3] =	ssyncadd.s32 $0xFFFFC000  }
0x48: {  	s23 =	simm.s32 $0x1;
	[tilespmem:s24+$0x0] =	vst v1;
	s24 =	simm.s32 $0x0  }
.LBB2_4:
0x49: {  	s25 =	sand.u32 $0x380, s23;
	p0 =	sne.s32 s23, $0x3FF  }
.Ltmp1:
0x4a: {  	s22 =	sadd.s32 $0x10, s22;
	s24 =	sadd.s32 $0x80, s24;
	(pc) =	sbr.rel @p0 .LBB2_4-.Ltmp1, $4  }
0x4b: {  	s23 =	sadd.s32 $0x1, s23;
	s26 =	sand.u32 $0x3C00, s24  }
0x4c: {  	s28 =	sand.u32 $0x70, s22;
	s25 =	sor.u32 s25, s26  }
0x4d: {  	s25 =	sor.u32 s28, s25  }
0x4e: {  	[tilespmem:s25+$0x0] =	vst v1  }
0x4f: {  	s21 =	sadd.s32 $0x1, s21  }
0x50: {  	p0 =	sne.s32 s21, s20  }
.Ltmp2:
0x51: {  	_ = 	snop;
	(pc) =	sbr.rel @p0 .LBB2_1-.Ltmp2, $4  }
0x52: {  	[hbm4b:s19+s2] =	stream.linear.scatter [tilespmem:s2], [sflag:$0x1], $0x4000, $0x38;
	[tilespmem:$0x4000] =	vst v63  }
0x53: {  	_ =	swait.ge [sflag:s3], $0x4000  }
0x54: {  	[sflag:s3] =	ssyncset.done $0x0  }
0x55: {  	[sflag:s3] =	ssyncadd.s32 $0xFFFFC000  }
0x56: {  	_ =	sfence.sel $0x180000  }
0x57: {  	[bflag:$0x0] =	sbarrier.arrive $0xFFFF  }
0x58: {  	p0 =	sne.s32 s0, $0x0;
	_ =	strace $0x90000047  }
0x59: {  	s0 =	sadd.s32 @!p0 $0x100000, s1;
	[bflag:$0x2] =	sbarrier.arrive $0xFFFF  }
0x5a: {  	[sflag:s0] =	ssyncadd.tile.s32 @!p0 $0x1;
	_ =	shalt  }
.Lfunc_end2:
_tile_overlayer_lowered:
.L_overlay_start_2:
0x5b: {  	(tag) =	ssettag $0x2  }
0x5c: {  	s0 =	rddreg [dreg:$0x0];
	s2 =	stileid.u32  }
0x5d: {  	s1 =	rddreg [dreg:$0x1];
	p0 =	sne.s32 s2, $0x0  }
0x5e: {  	s3 =	rddreg [dreg:$0x2];
	[bflag:$0x3] =	sbarrier.arrive $0xFFFF;
	s2 =	simm.s32 @!p0 $0x1C01  }
0x5f: {  	[timem:s3], [sflag:s2] =	dma.local @!p0 [hbm:s0], s1  }
0x60: {  	s0 =	simm.s32 @!p0 $0x1  }
0x61: {  	_ =	swait.ge @!p0 [sflag:s0], s1  }
0x62: {  	s1 =	ssub.s32 @!p0 $0x0, s1;
	[sflag:s0] =	ssyncset.done @!p0 $0x0  }
0x63: {  	[sflag:s0] =	ssyncadd.s32 @!p0 s1  }
0x64: {  	[bflag:$0x3] =	sbarrier.arrive $0xFFFF  }
0x65: {  	_ =	shalt  }

</sc_bundles>
